<compile_context>
chip_gen: v7x
topology: tpu7x:2x2x1
jax: 0.10.2.dev20260603
libtpu: 0.0.44.dev20260713+nightly
codegen_flags: <defaults>
</compile_context>

<pallas_src>
import functools

import jax
import jax.numpy as jnp
from jax import lax
from jax.experimental import pallas as pl
from jax.experimental.pallas import tpu as pltpu
from jax.experimental.pallas import tpu_sc as plsc

TEMP = 1.0
THRESHOLD = 0.5
PRIOR = 0.2
EPS = 1e-8

B, S, D, H = 4, 2048, 1024, 2048
SBLK = 512
NSB = S // SBLK
EBLK = 256
NEB = S // EBLK
NTILES = 32
CHUNK = S // (NTILES // B)
SUB = 16
NBUF = 4
DEPTH = 3


def _stage1_body(x_ref, w1_ref, b1_ref, w2_ref, logits_ref, c_ref, carry_ref):
    x = x_ref[0]
    xb = x.astype(jnp.bfloat16)
    h = jax.lax.dot_general(xb, w1_ref[...], (((1,), (0,)), ((), ())),
                            preferred_element_type=jnp.float32)
    h = jnp.maximum(h + b1_ref[...], 0.0)
    hb = h.astype(jnp.bfloat16).astype(jnp.float32)
    w2f = w2_ref[...].astype(jnp.float32)
    logits = jnp.sum(hb * w2f, axis=1)
    logits_ref[...] = logits.reshape(1, 1, 1, SBLK)

    r = jax.lax.broadcasted_iota(jnp.int32, (SBLK, SBLK), 0)
    c = jax.lax.broadcasted_iota(jnp.int32, (SBLK, SBLK), 1)
    ltri = (r >= c).astype(jnp.bfloat16)
    cs = jax.lax.dot_general(ltri, xb, (((1,), (0,)), ((), ())),
                             preferred_element_type=jnp.float32)

    @pl.when(pl.program_id(1) == 0)
    def _():
        carry_ref[...] = jnp.zeros_like(carry_ref)

    total = cs + carry_ref[...]
    c_ref[0] = total
    carry_ref[...] = total[SBLK - 1:SBLK, :]


def _stage1(hidden, W1b, b1r, w2rb):
    return pl.pallas_call(
        _stage1_body,
        grid=(B, NSB),
        in_specs=[
            pl.BlockSpec((1, SBLK, D), lambda b, s: (b, s, 0)),
            pl.BlockSpec((D, H), lambda b, s: (0, 0)),
            pl.BlockSpec((1, H), lambda b, s: (0, 0)),
            pl.BlockSpec((1, H), lambda b, s: (0, 0)),
        ],
        out_specs=[
            pl.BlockSpec((1, 1, 1, SBLK), lambda b, s: (b, s, 0, 0)),
            pl.BlockSpec((1, SBLK, D), lambda b, s: (b, s, 0)),
        ],
        out_shape=[
            jax.ShapeDtypeStruct((B, NSB, 1, SBLK), jnp.float32),
            jax.ShapeDtypeStruct((B, S, D), jnp.float32),
        ],
        scratch_shapes=[pltpu.VMEM((1, D), jnp.float32)],
        compiler_params=pltpu.CompilerParams(
            dimension_semantics=("arbitrary", "arbitrary")),
    )(hidden, W1b, b1r, w2rb)


def _lane_cumsum(x):
    n = x.shape[1]
    sh = 1
    while sh < n:
        x = x + jnp.concatenate(
            [jnp.zeros(x.shape[:1] + (sh,), x.dtype), x[:, :-sh]], axis=1)
        sh *= 2
    return x


def _stage2_body(logits_ref, u_ref, b2_ref, g_ref, inv_ref, nb_ref):
    logits = logits_ref[...] + b2_ref[0, 0]
    probs = 1.0 / (1.0 + jnp.exp(-logits))
    u = u_ref[...]
    noisy = (jnp.log(probs + EPS) - jnp.log(1.0 - probs + EPS)
             + jnp.log(u) - jnp.log(1.0 - u)) / TEMP
    soft = 1.0 / (1.0 + jnp.exp(-noisy))
    hard = (soft > THRESHOLD)
    hardi = hard.astype(jnp.int32)
    nb_ref[0, 0] = jnp.sum(hardi.astype(jnp.float32))

    seg = _lane_cumsum(hardi) - hardi

    for b in range(B):
        segb = seg[b:b + 1, :]
        e_cols = []
        for k in range(NEB):
            nv = (jax.lax.broadcasted_iota(jnp.int32, (EBLK, 1), 0)
                  + k * EBLK)
            cmp = (segb <= nv).astype(jnp.int32)
            e_cols.append(jnp.sum(cmp, axis=1, keepdims=True))
        e_b = jnp.concatenate(e_cols, axis=0)
        g_ref[b] = (b * S - 1) + e_b
        e_prev = jnp.concatenate(
            [jnp.zeros((1, 1), jnp.int32), e_b[:-1]], axis=0)
        cnt = (e_b - e_prev).astype(jnp.float32)
        inv_ref[b] = 1.0 / (cnt + 1e-9)


def _stage2(logits, u, b2r):
    return pl.pallas_call(
        _stage2_body,
        in_specs=[
            pl.BlockSpec((B, S), lambda: (0, 0)),
            pl.BlockSpec((B, S), lambda: (0, 0)),
            pl.BlockSpec(memory_space=pltpu.SMEM),
        ],
        out_specs=[
            pl.BlockSpec((B, S, 1), lambda: (0, 0, 0)),
            pl.BlockSpec((B, S, 1), lambda: (0, 0, 0)),
            pl.BlockSpec(memory_space=pltpu.SMEM),
        ],
        out_shape=[
            jax.ShapeDtypeStruct((B, S, 1), jnp.int32),
            jax.ShapeDtypeStruct((B, S, 1), jnp.float32),
            jax.ShapeDtypeStruct((1, 1), jnp.float32),
        ],
    )(logits, u, b2r)


def _sc_body(cpad_hbm, g_hbm, out_hbm, idx_v, *bufs_and_sems):
    bufs = bufs_and_sems[:NBUF]
    gsems = bufs_and_sems[NBUF:2 * NBUF]
    wsems = bufs_and_sems[2 * NBUF:3 * NBUF]
    wid = lax.axis_index("s") * 2 + lax.axis_index("c")
    nk = CHUNK // SUB
    ibase = wid * CHUNK
    pltpu.sync_copy(g_hbm.at[pl.ds(wid * nk, nk)], idx_v)
    gpend = [None] * NBUF
    wpend = [None] * NBUF
    for k in range(min(DEPTH, nk)):
        gpend[k % NBUF] = pltpu.async_copy(
            cpad_hbm.at[idx_v.at[k]], bufs[k % NBUF], gsems[k % NBUF])
    for k in range(nk):
        i = k % NBUF
        gpend[i].wait()
        gpend[i] = None
        kk = k + DEPTH
        if kk < nk:
            j = kk % NBUF
            if wpend[j] is not None:
                wpend[j].wait()
                wpend[j] = None
            gpend[j] = pltpu.async_copy(
                cpad_hbm.at[idx_v.at[kk]], bufs[j], gsems[j])
        wpend[i] = pltpu.async_copy(
            bufs[i], out_hbm.at[pl.ds(ibase + k * SUB, SUB)], wsems[i])
    for w in wpend:
        if w is not None:
            w.wait()


def _sc_gather(cpad_flat, g_win):
    mesh = plsc.VectorSubcoreMesh(core_axis_name="c", subcore_axis_name="s")
    f = functools.partial(
        pl.kernel,
        mesh=mesh,
        out_type=jax.ShapeDtypeStruct((B * S, D), jnp.float32),
        scratch_types=(
            [pltpu.VMEM((CHUNK // SUB, SUB), jnp.int32)]
            + [pltpu.VMEM((SUB, D), jnp.float32)] * NBUF
            + [pltpu.SemaphoreType.DMA] * (2 * NBUF)
        ),
    )(_sc_body)
    return f(cpad_flat, g_win)


SBLK4 = 256
NSB4 = S // SBLK4


def _stage4_body(g_ref, seed_ref, inv_ref, out_ref):
    x = g_ref[0]
    prev = seed_ref[0, 7:8, :]
    prev = jnp.where(pl.program_id(1) == 0, 0.0, prev)
    shifted = jnp.concatenate([prev, x[:SBLK4 - 1, :]], axis=0)
    out_ref[0] = (x - shifted) * inv_ref[0]


def _stage4(gath, inv_col):
    return pl.pallas_call(
        _stage4_body,
        grid=(B, NSB4),
        in_specs=[
            pl.BlockSpec((1, SBLK4, D), lambda b, s: (b, s, 0)),
            pl.BlockSpec((1, 8, D),
                         lambda b, s: (b, jnp.maximum(s * (SBLK4 // 8) - 1, 0),
                                       0)),
            pl.BlockSpec((1, SBLK4, 1), lambda b, s: (b, s, 0)),
        ],
        out_specs=pl.BlockSpec((1, SBLK4, D), lambda b, s: (b, s, 0)),
        out_shape=jax.ShapeDtypeStruct((B, S, D), jnp.float32),
    )(gath, gath, inv_col)


def kernel(hidden, W1, b1, W2, b2):
    u = jax.random.uniform(jax.random.key(42), (B, S),
                           minval=1e-6, maxval=1.0 - 1e-6, dtype=jnp.float32)
    logits4, C = _stage1(hidden, W1.astype(jnp.bfloat16), b1.reshape(1, H),
                         W2.reshape(1, H).astype(jnp.bfloat16))
    G2, invbc, nb = _stage2(logits4.reshape(B, S), u, b2.reshape(1, 1))

    gwin = G2.reshape(B * (S // SUB), SUB)
    gath = _sc_gather(C.reshape(B * S, D), gwin).reshape(B, S, D)
    pooled = _stage4(gath, invbc)

    k = nb[0, 0]
    n = jnp.asarray(B * S, jnp.float32)
    log_prob = (jax.lax.lgamma(n + 1.0) - jax.lax.lgamma(k + 1.0)
                - jax.lax.lgamma(n - k + 1.0)
                + k * jnp.log(PRIOR) + (n - k) * jnp.log(1.0 - PRIOR))
    loss = -log_prob / n
    return pooled, loss

# --- scband reference (transcript-rebuilt; emitter-appended) ---
"""Pipeline reference for scband-boundary-predictor1-27951647162509 (READ-ONLY COPY).

The authoritative reference and input builder live on the scoring server;
editing this copy changes nothing except your own understanding.
"""

import jax, jax.numpy as jnp
import numpy as np

TEMP = 1.0
THRESHOLD = 0.5
PRIOR = 0.2
B, S, D, H = 4, 2048, 1024, 2048


def binomial_loss(k, n, p):
    # -log Binomial(n, p).log_prob(k) / n
    log_prob = (jax.lax.lgamma(n + 1.0) - jax.lax.lgamma(k + 1.0)
                - jax.lax.lgamma(n - k + 1.0)
                + k * jnp.log(p) + (n - k) * jnp.log(1.0 - p))
    return -log_prob / n


def setup_inputs(seed: int = 0) -> dict:
    key = jax.random.key(seed)
    k1, k2, k3 = jax.random.split(key, 3)
    hidden = jax.random.normal(k1, (B, S, D), dtype=jnp.float32)
    W1 = jax.random.normal(k2, (D, H), dtype=jnp.float32) * (1.0 / np.sqrt(D))
    b1 = jnp.zeros((H,), dtype=jnp.float32)
    W2 = jax.random.normal(k3, (H, 1), dtype=jnp.float32) * (1.0 / np.sqrt(H))
    b2 = jnp.full((1,), 3.0, dtype=jnp.float32)  # init_for_12: bias filled with +3
    return {"hidden": hidden, "W1": W1, "b1": b1, "W2": W2, "b2": b2}


def _relaxed_bernoulli_sample(probs):
    # RelaxedBernoulli(temperature=TEMP, probs).rsample() with a fixed key
    u = jax.random.uniform(jax.random.key(42), probs.shape,
                           minval=1e-6, maxval=1.0 - 1e-6, dtype=jnp.float32)
    eps = 1e-8
    noisy_logits = (jnp.log(probs + eps) - jnp.log(1.0 - probs + eps)
                    + jnp.log(u) - jnp.log(1.0 - u)) / TEMP
    return jax.nn.sigmoid(noisy_logits)


def _forward(hidden, W1, b1, W2, b2):
    # boundary MLP: Linear -> ReLU -> Linear -> squeeze(-1)
    h = jax.nn.relu(hidden @ W1 + b1)
    logits = (h @ W2 + b2)[..., 0]
    probs = jax.nn.sigmoid(logits)

    soft_boundaries = _relaxed_bernoulli_sample(probs)
    hard_samples = (soft_boundaries > THRESHOLD).astype(jnp.float32)
    # straight-through estimator
    hard_boundaries = hard_samples - jax.lax.stop_gradient(soft_boundaries) + soft_boundaries

    # new_downsample: mean-pool each contiguous segment (segments end at boundary tokens)
    hs_int = hard_samples.astype(jnp.int32)
    seg_ids = jnp.cumsum(hs_int, axis=1) - hs_int  # [B, S] segment index per token
    one_hot = (seg_ids[:, :, None] == jnp.arange(S, dtype=jnp.int32)[None, None, :]).astype(jnp.float32)
    one_hot = one_hot / (one_hot.sum(axis=1, keepdims=True) + 1e-9)
    pooled = jnp.einsum('bsd,bsn->bnd', hidden, one_hot)  # [B, S(max segs, zero-padded), D]

    num_boundaries = hard_boundaries.sum()
    total_positions = jnp.asarray(B * S, dtype=jnp.float32)
    loss = binomial_loss(num_boundaries, total_positions, PRIOR)
    return pooled, loss


def reference(hidden, W1, b1, W2, b2):
    return _forward(hidden, W1, b1, W2, b2)

if __name__ == "__main__":
    import jax
    _d = setup_inputs()
    print(jax.jit(kernel)(*tuple(_d.values())))

</pallas_src>

<mosaic_0001>
#map = affine_map<(d0, d1) -> (0, 0)>
module attributes {stable_mosaic.version = 14 : i64} {
  func.func @_sc_body(%arg0: i32, %arg1: i32, %arg2: memref<8192x1024xf32, #tpu.memory_space<hbm>>, %arg3: memref<512x16xi32, #tpu.memory_space<hbm>>, %arg4: memref<8192x1024xf32, #tpu.memory_space<hbm>>, %arg5: memref<16x16xi32, #tpu.memory_space<vmem>>, %arg6: memref<16x1024xf32, #tpu.memory_space<vmem>>, %arg7: memref<16x1024xf32, #tpu.memory_space<vmem>>, %arg8: memref<16x1024xf32, #tpu.memory_space<vmem>>, %arg9: memref<16x1024xf32, #tpu.memory_space<vmem>>, %arg10: memref<!tpu.dma_semaphore, #tpu.memory_space<semaphore_mem>>, %arg11: memref<!tpu.dma_semaphore, #tpu.memory_space<semaphore_mem>>, %arg12: memref<!tpu.dma_semaphore, #tpu.memory_space<semaphore_mem>>, %arg13: memref<!tpu.dma_semaphore, #tpu.memory_space<semaphore_mem>>, %arg14: memref<!tpu.dma_semaphore, #tpu.memory_space<semaphore_mem>>, %arg15: memref<!tpu.dma_semaphore, #tpu.memory_space<semaphore_mem>>, %arg16: memref<!tpu.dma_semaphore, #tpu.memory_space<semaphore_mem>>, %arg17: memref<!tpu.dma_semaphore, #tpu.memory_space<semaphore_mem>>) attributes {dimension_semantics = [#tpu.dimension_semantics<core_parallel>, #tpu.dimension_semantics<subcore_parallel>], iteration_bounds = array<i64: 2, 16>, scalar_prefetch = 0 : i64, scratch_operands = 13 : i64, tpu.core_type = #tpu.core_type<sc_vector_subcore>, window_params = [{transform_indices = #map}, {transform_indices = #map}, {transform_indices = #map}]} {
    %mul3A = arith.constant 2 : i32
    %mul3A_0 = arith.muli %arg1, %mul3A : i32
    %add3A = arith.addi %mul3A_0, %arg0 : i32
    %mul3A_1 = arith.constant 256 : i32
    %mul3A_2 = arith.muli %add3A, %mul3A_1 : i32
    %mul3A_3 = arith.constant 16 : i32
    %mul3A_4 = arith.muli %add3A, %mul3A_3 : i32
    "tpu.region"() ({
      %run_scoped3A = tpu.sem_alloc : memref<!tpu.dma_semaphore, #tpu.memory_space<semaphore_mem>>
      %dma_start3A_387 = arith.constant 0 : i32
      %dma_start3A_388 = tpu.memref_slice %arg3[%mul3A_4, %dma_start3A_387] : memref<512x16xi32, #tpu.memory_space<hbm>> -> memref<16x16xi32, #tpu.memory_space<hbm>>
      %dma_start3A_389 = arith.constant 0 : i32
      %dma_start3A_390 = tpu.memref_slice %arg3[%mul3A_4, %dma_start3A_389] : memref<512x16xi32, #tpu.memory_space<hbm>> -> memref<16x16xi32, #tpu.memory_space<hbm>>
      tpu.enqueue_dma source(%dma_start3A_390 : memref<16x16xi32, #tpu.memory_space<hbm>>) target(%arg5 : memref<16x16xi32, #tpu.memory_space<vmem>>) target_semaphore(%run_scoped3A : memref<!tpu.dma_semaphore, #tpu.memory_space<semaphore_mem>>)
      %dma_wait3A_391 = arith.constant 0 : i32
      %dma_wait3A_392 = tpu.memref_slice %arg3[%mul3A_4, %dma_wait3A_391] : memref<512x16xi32, #tpu.memory_space<hbm>> -> memref<16x16xi32, #tpu.memory_space<hbm>>
      %dma_wait3A_393 = arith.constant 0 : i32
      %dma_wait3A_394 = tpu.memref_slice %arg3[%mul3A_4, %dma_wait3A_393] : memref<512x16xi32, #tpu.memory_space<hbm>> -> memref<16x16xi32, #tpu.memory_space<hbm>>
      tpu.wait_dma2 semaphore(%run_scoped3A : memref<!tpu.dma_semaphore, #tpu.memory_space<semaphore_mem>>) src(%dma_wait3A_394 : memref<16x16xi32, #tpu.memory_space<hbm>>) dst(%arg5 : memref<16x16xi32, #tpu.memory_space<vmem>>)
      tpu.yield
    }) : () -> ()
    %dma_start3A = arith.constant 0 : i32
    %dma_start3A_5 = arith.constant 0 : i32
    %dma_start3A_6 = tpu.memref_slice %arg5[%dma_start3A, %dma_start3A_5] : memref<16x16xi32, #tpu.memory_space<vmem>> -> memref<1x16xi32, #tpu.memory_space<vmem>>
    %dma_start3A_7 = tpu.memref_squeeze %dma_start3A_6 : memref<1x16xi32, #tpu.memory_space<vmem>> -> memref<16xi32, #tpu.memory_space<vmem>>
    %dma_start3A_8 = arith.constant 0 : i32
    %dma_start3A_9 = arith.constant 0 : i32
    %dma_start3A_10 = tpu.memref_slice %arg2[%dma_start3A_8, %dma_start3A_9] : memref<8192x1024xf32, #tpu.memory_space<hbm>> -> memref<8192x1024xf32, #tpu.memory_space<hbm>>
    tpu.enqueue_indirect_dma source(%dma_start3A_10 : memref<8192x1024xf32, #tpu.memory_space<hbm>>) target(%arg6 : memref<16x1024xf32, #tpu.memory_space<vmem>>) offsets(%dma_start3A_7 : memref<16xi32, #tpu.memory_space<vmem>>) semaphore(%arg10 : memref<!tpu.dma_semaphore, #tpu.memory_space<semaphore_mem>>)
    %dma_start3A_11 = arith.constant 1 : i32
    %dma_start3A_12 = arith.constant 0 : i32
    %dma_start3A_13 = tpu.memref_slice %arg5[%dma_start3A_11, %dma_start3A_12] : memref<16x16xi32, #tpu.memory_space<vmem>> -> memref<1x16xi32, #tpu.memory_space<vmem>>
    %dma_start3A_14 = tpu.memref_squeeze %dma_start3A_13 : memref<1x16xi32, #tpu.memory_space<vmem>> -> memref<16xi32, #tpu.memory_space<vmem>>
    %dma_start3A_15 = arith.constant 0 : i32
    %dma_start3A_16 = arith.constant 0 : i32
    %dma_start3A_17 = tpu.memref_slice %arg2[%dma_start3A_15, %dma_start3A_16] : memref<8192x1024xf32, #tpu.memory_space<hbm>> -> memref<8192x1024xf32, #tpu.memory_space<hbm>>
    tpu.enqueue_indirect_dma source(%dma_start3A_17 : memref<8192x1024xf32, #tpu.memory_space<hbm>>) target(%arg7 : memref<16x1024xf32, #tpu.memory_space<vmem>>) offsets(%dma_start3A_14 : memref<16xi32, #tpu.memory_space<vmem>>) semaphore(%arg11 : memref<!tpu.dma_semaphore, #tpu.memory_space<semaphore_mem>>)
    %dma_start3A_18 = arith.constant 2 : i32
    %dma_start3A_19 = arith.constant 0 : i32
    %dma_start3A_20 = tpu.memref_slice %arg5[%dma_start3A_18, %dma_start3A_19] : memref<16x16xi32, #tpu.memory_space<vmem>> -> memref<1x16xi32, #tpu.memory_space<vmem>>
    %dma_start3A_21 = tpu.memref_squeeze %dma_start3A_20 : memref<1x16xi32, #tpu.memory_space<vmem>> -> memref<16xi32, #tpu.memory_space<vmem>>
    %dma_start3A_22 = arith.constant 0 : i32
    %dma_start3A_23 = arith.constant 0 : i32
    %dma_start3A_24 = tpu.memref_slice %arg2[%dma_start3A_22, %dma_start3A_23] : memref<8192x1024xf32, #tpu.memory_space<hbm>> -> memref<8192x1024xf32, #tpu.memory_space<hbm>>
    tpu.enqueue_indirect_dma source(%dma_start3A_24 : memref<8192x1024xf32, #tpu.memory_space<hbm>>) target(%arg8 : memref<16x1024xf32, #tpu.memory_space<vmem>>) offsets(%dma_start3A_21 : memref<16xi32, #tpu.memory_space<vmem>>) semaphore(%arg12 : memref<!tpu.dma_semaphore, #tpu.memory_space<semaphore_mem>>)
    %dma_wait3A = arith.constant 0 : i32
    %dma_wait3A_25 = arith.constant 0 : i32
    %dma_wait3A_26 = tpu.memref_slice %arg5[%dma_wait3A, %dma_wait3A_25] : memref<16x16xi32, #tpu.memory_space<vmem>> -> memref<1x16xi32, #tpu.memory_space<vmem>>
    %dma_wait3A_27 = tpu.memref_squeeze %dma_wait3A_26 : memref<1x16xi32, #tpu.memory_space<vmem>> -> memref<16xi32, #tpu.memory_space<vmem>>
    %dma_wait3A_28 = arith.constant 0 : i32
    %dma_wait3A_29 = arith.constant 0 : i32
    %dma_wait3A_30 = tpu.memref_slice %arg2[%dma_wait3A_28, %dma_wait3A_29] : memref<8192x1024xf32, #tpu.memory_space<hbm>> -> memref<8192x1024xf32, #tpu.memory_space<hbm>>
    tpu.wait_indirect_dma semaphore(%arg10 : memref<!tpu.dma_semaphore, #tpu.memory_space<semaphore_mem>>) src(%dma_wait3A_30 : memref<8192x1024xf32, #tpu.memory_space<hbm>>) dst(%arg6 : memref<16x1024xf32, #tpu.memory_space<vmem>>)
    %dma_start3A_31 = arith.constant 3 : i32
    %dma_start3A_32 = arith.constant 0 : i32
    %dma_start3A_33 = tpu.memref_slice %arg5[%dma_start3A_31, %dma_start3A_32] : memref<16x16xi32, #tpu.memory_space<vmem>> -> memref<1x16xi32, #tpu.memory_space<vmem>>
    %dma_start3A_34 = tpu.memref_squeeze %dma_start3A_33 : memref<1x16xi32, #tpu.memory_space<vmem>> -> memref<16xi32, #tpu.memory_space<vmem>>
    %dma_start3A_35 = arith.constant 0 : i32
    %dma_start3A_36 = arith.constant 0 : i32
    %dma_start3A_37 = tpu.memref_slice %arg2[%dma_start3A_35, %dma_start3A_36] : memref<8192x1024xf32, #tpu.memory_space<hbm>> -> memref<8192x1024xf32, #tpu.memory_space<hbm>>
    tpu.enqueue_indirect_dma source(%dma_start3A_37 : memref<8192x1024xf32, #tpu.memory_space<hbm>>) target(%arg9 : memref<16x1024xf32, #tpu.memory_space<vmem>>) offsets(%dma_start3A_34 : memref<16xi32, #tpu.memory_space<vmem>>) semaphore(%arg13 : memref<!tpu.dma_semaphore, #tpu.memory_space<semaphore_mem>>)
    %add3A_38 = arith.constant 0 : i32
    %add3A_39 = arith.addi %mul3A_2, %add3A_38 : i32
    %dma_start3A_40 = arith.constant 0 : i32
    %dma_start3A_41 = tpu.memref_slice %arg4[%add3A_39, %dma_start3A_40] : memref<8192x1024xf32, #tpu.memory_space<hbm>> -> memref<16x1024xf32, #tpu.memory_space<hbm>>
    %dma_start3A_42 = arith.constant 0 : i32
    %dma_start3A_43 = tpu.memref_slice %arg4[%add3A_39, %dma_start3A_42] : memref<8192x1024xf32, #tpu.memory_space<hbm>> -> memref<16x1024xf32, #tpu.memory_space<hbm>>
    tpu.enqueue_dma source(%arg6 : memref<16x1024xf32, #tpu.memory_space<vmem>>) target(%dma_start3A_43 : memref<16x1024xf32, #tpu.memory_space<hbm>>) target_semaphore(%arg14 : memref<!tpu.dma_semaphore, #tpu.memory_space<semaphore_mem>>)
    %dma_wait3A_44 = arith.constant 1 : i32
    %dma_wait3A_45 = arith.constant 0 : i32
    %dma_wait3A_46 = tpu.memref_slice %arg5[%dma_wait3A_44, %dma_wait3A_45] : memref<16x16xi32, #tpu.memory_space<vmem>> -> memref<1x16xi32, #tpu.memory_space<vmem>>
    %dma_wait3A_47 = tpu.memref_squeeze %dma_wait3A_46 : memref<1x16xi32, #tpu.memory_space<vmem>> -> memref<16xi32, #tpu.memory_space<vmem>>
    %dma_wait3A_48 = arith.constant 0 : i32
    %dma_wait3A_49 = arith.constant 0 : i32
    %dma_wait3A_50 = tpu.memref_slice %arg2[%dma_wait3A_48, %dma_wait3A_49] : memref<8192x1024xf32, #tpu.memory_space<hbm>> -> memref<8192x1024xf32, #tpu.memory_space<hbm>>
    tpu.wait_indirect_dma semaphore(%arg11 : memref<!tpu.dma_semaphore, #tpu.memory_space<semaphore_mem>>) src(%dma_wait3A_50 : memref<8192x1024xf32, #tpu.memory_space<hbm>>) dst(%arg7 : memref<16x1024xf32, #tpu.memory_space<vmem>>)
    %dma_wait3A_51 = arith.constant 0 : i32
    %dma_wait3A_52 = tpu.memref_slice %arg4[%add3A_39, %dma_wait3A_51] : memref<8192x1024xf32, #tpu.memory_space<hbm>> -> memref<16x1024xf32, #tpu.memory_space<hbm>>
    %dma_wait3A_53 = arith.constant 0 : i32
    %dma_wait3A_54 = tpu.memref_slice %arg4[%add3A_39, %dma_wait3A_53] : memref<8192x1024xf32, #tpu.memory_space<hbm>> -> memref<16x1024xf32, #tpu.memory_space<hbm>>
    tpu.wait_dma2 semaphore(%arg14 : memref<!tpu.dma_semaphore, #tpu.memory_space<semaphore_mem>>) src(%arg6 : memref<16x1024xf32, #tpu.memory_space<vmem>>) dst(%dma_wait3A_54 : memref<16x1024xf32, #tpu.memory_space<hbm>>)
    %dma_start3A_55 = arith.constant 4 : i32
    %dma_start3A_56 = arith.constant 0 : i32
    %dma_start3A_57 = tpu.memref_slice %arg5[%dma_start3A_55, %dma_start3A_56] : memref<16x16xi32, #tpu.memory_space<vmem>> -> memref<1x16xi32, #tpu.memory_space<vmem>>
    %dma_start3A_58 = tpu.memref_squeeze %dma_start3A_57 : memref<1x16xi32, #tpu.memory_space<vmem>> -> memref<16xi32, #tpu.memory_space<vmem>>
    %dma_start3A_59 = arith.constant 0 : i32
    %dma_start3A_60 = arith.constant 0 : i32
    %dma_start3A_61 = tpu.memref_slice %arg2[%dma_start3A_59, %dma_start3A_60] : memref<8192x1024xf32, #tpu.memory_space<hbm>> -> memref<8192x1024xf32, #tpu.memory_space<hbm>>
    tpu.enqueue_indirect_dma source(%dma_start3A_61 : memref<8192x1024xf32, #tpu.memory_space<hbm>>) target(%arg6 : memref<16x1024xf32, #tpu.memory_space<vmem>>) offsets(%dma_start3A_58 : memref<16xi32, #tpu.memory_space<vmem>>) semaphore(%arg10 : memref<!tpu.dma_semaphore, #tpu.memory_space<semaphore_mem>>)
    %add3A_62 = arith.constant 16 : i32
    %add3A_63 = arith.addi %mul3A_2, %add3A_62 : i32
    %dma_start3A_64 = arith.constant 0 : i32
    %dma_start3A_65 = tpu.memref_slice %arg4[%add3A_63, %dma_start3A_64] : memref<8192x1024xf32, #tpu.memory_space<hbm>> -> memref<16x1024xf32, #tpu.memory_space<hbm>>
    %dma_start3A_66 = arith.constant 0 : i32
    %dma_start3A_67 = tpu.memref_slice %arg4[%add3A_63, %dma_start3A_66] : memref<8192x1024xf32, #tpu.memory_space<hbm>> -> memref<16x1024xf32, #tpu.memory_space<hbm>>
    tpu.enqueue_dma source(%arg7 : memref<16x1024xf32, #tpu.memory_space<vmem>>) target(%dma_start3A_67 : memref<16x1024xf32, #tpu.memory_space<hbm>>) target_semaphore(%arg15 : memref<!tpu.dma_semaphore, #tpu.memory_space<semaphore_mem>>)
    %dma_wait3A_68 = arith.constant 2 : i32
    %dma_wait3A_69 = arith.constant 0 : i32
    %dma_wait3A_70 = tpu.memref_slice %arg5[%dma_wait3A_68, %dma_wait3A_69] : memref<16x16xi32, #tpu.memory_space<vmem>> -> memref<1x16xi32, #tpu.memory_space<vmem>>
    %dma_wait3A_71 = tpu.memref_squeeze %dma_wait3A_70 : memref<1x16xi32, #tpu.memory_space<vmem>> -> memref<16xi32, #tpu.memory_space<vmem>>
    %dma_wait3A_72 = arith.constant 0 : i32
    %dma_wait3A_73 = arith.constant 0 : i32
    %dma_wait3A_74 = tpu.memref_slice %arg2[%dma_wait3A_72, %dma_wait3A_73] : memref<8192x1024xf32, #tpu.memory_space<hbm>> -> memref<8192x1024xf32, #tpu.memory_space<hbm>>
    tpu.wait_indirect_dma semaphore(%arg12 : memref<!tpu.dma_semaphore, #tpu.memory_space<semaphore_mem>>) src(%dma_wait3A_74 : memref<8192x1024xf32, #tpu.memory_space<hbm>>) dst(%arg8 : memref<16x1024xf32, #tpu.memory_space<vmem>>)
    %dma_wait3A_75 = arith.constant 0 : i32
    %dma_wait3A_76 = tpu.memref_slice %arg4[%add3A_63, %dma_wait3A_75] : memref<8192x1024xf32, #tpu.memory_space<hbm>> -> memref<16x1024xf32, #tpu.memory_space<hbm>>
    %dma_wait3A_77 = arith.constant 0 : i32
    %dma_wait3A_78 = tpu.memref_slice %arg4[%add3A_63, %dma_wait3A_77] : memref<8192x1024xf32, #tpu.memory_space<hbm>> -> memref<16x1024xf32, #tpu.memory_space<hbm>>
    tpu.wait_dma2 semaphore(%arg15 : memref<!tpu.dma_semaphore, #tpu.memory_space<semaphore_mem>>) src(%arg7 : memref<16x1024xf32, #tpu.memory_space<vmem>>) dst(%dma_wait3A_78 : memref<16x1024xf32, #tpu.memory_space<hbm>>)
    %dma_start3A_79 = arith.constant 5 : i32
    %dma_start3A_80 = arith.constant 0 : i32
    %dma_start3A_81 = tpu.memref_slice %arg5[%dma_start3A_79, %dma_start3A_80] : memref<16x16xi32, #tpu.memory_space<vmem>> -> memref<1x16xi32, #tpu.memory_space<vmem>>
    %dma_start3A_82 = tpu.memref_squeeze %dma_start3A_81 : memref<1x16xi32, #tpu.memory_space<vmem>> -> memref<16xi32, #tpu.memory_space<vmem>>
    %dma_start3A_83 = arith.constant 0 : i32
    %dma_start3A_84 = arith.constant 0 : i32
    %dma_start3A_85 = tpu.memref_slice %arg2[%dma_start3A_83, %dma_start3A_84] : memref<8192x1024xf32, #tpu.memory_space<hbm>> -> memref<8192x1024xf32, #tpu.memory_space<hbm>>
    tpu.enqueue_indirect_dma source(%dma_start3A_85 : memref<8192x1024xf32, #tpu.memory_space<hbm>>) target(%arg7 : memref<16x1024xf32, #tpu.memory_space<vmem>>) offsets(%dma_start3A_82 : memref<16xi32, #tpu.memory_space<vmem>>) semaphore(%arg11 : memref<!tpu.dma_semaphore, #tpu.memory_space<semaphore_mem>>)
    %add3A_86 = arith.constant 32 : i32
    %add3A_87 = arith.addi %mul3A_2, %add3A_86 : i32
    %dma_start3A_88 = arith.constant 0 : i32
    %dma_start3A_89 = tpu.memref_slice %arg4[%add3A_87, %dma_start3A_88] : memref<8192x1024xf32, #tpu.memory_space<hbm>> -> memref<16x1024xf32, #tpu.memory_space<hbm>>
    %dma_start3A_90 = arith.constant 0 : i32
    %dma_start3A_91 = tpu.memref_slice %arg4[%add3A_87, %dma_start3A_90] : memref<8192x1024xf32, #tpu.memory_space<hbm>> -> memref<16x1024xf32, #tpu.memory_space<hbm>>
    tpu.enqueue_dma source(%arg8 : memref<16x1024xf32, #tpu.memory_space<vmem>>) target(%dma_start3A_91 : memref<16x1024xf32, #tpu.memory_space<hbm>>) target_semaphore(%arg16 : memref<!tpu.dma_semaphore, #tpu.memory_space<semaphore_mem>>)
    %dma_wait3A_92 = arith.constant 3 : i32
    %dma_wait3A_93 = arith.constant 0 : i32
    %dma_wait3A_94 = tpu.memref_slice %arg5[%dma_wait3A_92, %dma_wait3A_93] : memref<16x16xi32, #tpu.memory_space<vmem>> -> memref<1x16xi32, #tpu.memory_space<vmem>>
    %dma_wait3A_95 = tpu.memref_squeeze %dma_wait3A_94 : memref<1x16xi32, #tpu.memory_space<vmem>> -> memref<16xi32, #tpu.memory_space<vmem>>
    %dma_wait3A_96 = arith.constant 0 : i32
    %dma_wait3A_97 = arith.constant 0 : i32
    %dma_wait3A_98 = tpu.memref_slice %arg2[%dma_wait3A_96, %dma_wait3A_97] : memref<8192x1024xf32, #tpu.memory_space<hbm>> -> memref<8192x1024xf32, #tpu.memory_space<hbm>>
    tpu.wait_indirect_dma semaphore(%arg13 : memref<!tpu.dma_semaphore, #tpu.memory_space<semaphore_mem>>) src(%dma_wait3A_98 : memref<8192x1024xf32, #tpu.memory_space<hbm>>) dst(%arg9 : memref<16x1024xf32, #tpu.memory_space<vmem>>)
    %dma_wait3A_99 = arith.constant 0 : i32
    %dma_wait3A_100 = tpu.memref_slice %arg4[%add3A_87, %dma_wait3A_99] : memref<8192x1024xf32, #tpu.memory_space<hbm>> -> memref<16x1024xf32, #tpu.memory_space<hbm>>
    %dma_wait3A_101 = arith.constant 0 : i32
    %dma_wait3A_102 = tpu.memref_slice %arg4[%add3A_87, %dma_wait3A_101] : memref<8192x1024xf32, #tpu.memory_space<hbm>> -> memref<16x1024xf32, #tpu.memory_space<hbm>>
    tpu.wait_dma2 semaphore(%arg16 : memref<!tpu.dma_semaphore, #tpu.memory_space<semaphore_mem>>) src(%arg8 : memref<16x1024xf32, #tpu.memory_space<vmem>>) dst(%dma_wait3A_102 : memref<16x1024xf32, #tpu.memory_space<hbm>>)
    %dma_start3A_103 = arith.constant 6 : i32
    %dma_start3A_104 = arith.constant 0 : i32
    %dma_start3A_105 = tpu.memref_slice %arg5[%dma_start3A_103, %dma_start3A_104] : memref<16x16xi32, #tpu.memory_space<vmem>> -> memref<1x16xi32, #tpu.memory_space<vmem>>
    %dma_start3A_106 = tpu.memref_squeeze %dma_start3A_105 : memref<1x16xi32, #tpu.memory_space<vmem>> -> memref<16xi32, #tpu.memory_space<vmem>>
    %dma_start3A_107 = arith.constant 0 : i32
    %dma_start3A_108 = arith.constant 0 : i32
    %dma_start3A_109 = tpu.memref_slice %arg2[%dma_start3A_107, %dma_start3A_108] : memref<8192x1024xf32, #tpu.memory_space<hbm>> -> memref<8192x1024xf32, #tpu.memory_space<hbm>>
    tpu.enqueue_indirect_dma source(%dma_start3A_109 : memref<8192x1024xf32, #tpu.memory_space<hbm>>) target(%arg8 : memref<16x1024xf32, #tpu.memory_space<vmem>>) offsets(%dma_start3A_106 : memref<16xi32, #tpu.memory_space<vmem>>) semaphore(%arg12 : memref<!tpu.dma_semaphore, #tpu.memory_space<semaphore_mem>>)
    %add3A_110 = arith.constant 48 : i32
    %add3A_111 = arith.addi %mul3A_2, %add3A_110 : i32
    %dma_start3A_112 = arith.constant 0 : i32
    %dma_start3A_113 = tpu.memref_slice %arg4[%add3A_111, %dma_start3A_112] : memref<8192x1024xf32, #tpu.memory_space<hbm>> -> memref<16x1024xf32, #tpu.memory_space<hbm>>
    %dma_start3A_114 = arith.constant 0 : i32
    %dma_start3A_115 = tpu.memref_slice %arg4[%add3A_111, %dma_start3A_114] : memref<8192x1024xf32, #tpu.memory_space<hbm>> -> memref<16x1024xf32, #tpu.memory_space<hbm>>
    tpu.enqueue_dma source(%arg9 : memref<16x1024xf32, #tpu.memory_space<vmem>>) target(%dma_start3A_115 : memref<16x1024xf32, #tpu.memory_space<hbm>>) target_semaphore(%arg17 : memref<!tpu.dma_semaphore, #tpu.memory_space<semaphore_mem>>)
    %dma_wait3A_116 = arith.constant 4 : i32
    %dma_wait3A_117 = arith.constant 0 : i32
    %dma_wait3A_118 = tpu.memref_slice %arg5[%dma_wait3A_116, %dma_wait3A_117] : memref<16x16xi32, #tpu.memory_space<vmem>> -> memref<1x16xi32, #tpu.memory_space<vmem>>
    %dma_wait3A_119 = tpu.memref_squeeze %dma_wait3A_118 : memref<1x16xi32, #tpu.memory_space<vmem>> -> memref<16xi32, #tpu.memory_space<vmem>>
    %dma_wait3A_120 = arith.constant 0 : i32
    %dma_wait3A_121 = arith.constant 0 : i32
    %dma_wait3A_122 = tpu.memref_slice %arg2[%dma_wait3A_120, %dma_wait3A_121] : memref<8192x1024xf32, #tpu.memory_space<hbm>> -> memref<8192x1024xf32, #tpu.memory_space<hbm>>
    tpu.wait_indirect_dma semaphore(%arg10 : memref<!tpu.dma_semaphore, #tpu.memory_space<semaphore_mem>>) src(%dma_wait3A_122 : memref<8192x1024xf32, #tpu.memory_space<hbm>>) dst(%arg6 : memref<16x1024xf32, #tpu.memory_space<vmem>>)
    %dma_wait3A_123 = arith.constant 0 : i32
    %dma_wait3A_124 = tpu.memref_slice %arg4[%add3A_111, %dma_wait3A_123] : memref<8192x1024xf32, #tpu.memory_space<hbm>> -> memref<16x1024xf32, #tpu.memory_space<hbm>>
    %dma_wait3A_125 = arith.constant 0 : i32
    %dma_wait3A_126 = tpu.memref_slice %arg4[%add3A_111, %dma_wait3A_125] : memref<8192x1024xf32, #tpu.memory_space<hbm>> -> memref<16x1024xf32, #tpu.memory_space<hbm>>
    tpu.wait_dma2 semaphore(%arg17 : memref<!tpu.dma_semaphore, #tpu.memory_space<semaphore_mem>>) src(%arg9 : memref<16x1024xf32, #tpu.memory_space<vmem>>) dst(%dma_wait3A_126 : memref<16x1024xf32, #tpu.memory_space<hbm>>)
    %dma_start3A_127 = arith.constant 7 : i32
    %dma_start3A_128 = arith.constant 0 : i32
    %dma_start3A_129 = tpu.memref_slice %arg5[%dma_start3A_127, %dma_start3A_128] : memref<16x16xi32, #tpu.memory_space<vmem>> -> memref<1x16xi32, #tpu.memory_space<vmem>>
    %dma_start3A_130 = tpu.memref_squeeze %dma_start3A_129 : memref<1x16xi32, #tpu.memory_space<vmem>> -> memref<16xi32, #tpu.memory_space<vmem>>
    %dma_start3A_131 = arith.constant 0 : i32
    %dma_start3A_132 = arith.constant 0 : i32
    %dma_start3A_133 = tpu.memref_slice %arg2[%dma_start3A_131, %dma_start3A_132] : memref<8192x1024xf32, #tpu.memory_space<hbm>> -> memref<8192x1024xf32, #tpu.memory_space<hbm>>
    tpu.enqueue_indirect_dma source(%dma_start3A_133 : memref<8192x1024xf32, #tpu.memory_space<hbm>>) target(%arg9 : memref<16x1024xf32, #tpu.memory_space<vmem>>) offsets(%dma_start3A_130 : memref<16xi32, #tpu.memory_space<vmem>>) semaphore(%arg13 : memref<!tpu.dma_semaphore, #tpu.memory_space<semaphore_mem>>)
    %add3A_134 = arith.constant 64 : i32
    %add3A_135 = arith.addi %mul3A_2, %add3A_134 : i32
    %dma_start3A_136 = arith.constant 0 : i32
    %dma_start3A_137 = tpu.memref_slice %arg4[%add3A_135, %dma_start3A_136] : memref<8192x1024xf32, #tpu.memory_space<hbm>> -> memref<16x1024xf32, #tpu.memory_space<hbm>>
    %dma_start3A_138 = arith.constant 0 : i32
    %dma_start3A_139 = tpu.memref_slice %arg4[%add3A_135, %dma_start3A_138] : memref<8192x1024xf32, #tpu.memory_space<hbm>> -> memref<16x1024xf32, #tpu.memory_space<hbm>>
    tpu.enqueue_dma source(%arg6 : memref<16x1024xf32, #tpu.memory_space<vmem>>) target(%dma_start3A_139 : memref<16x1024xf32, #tpu.memory_space<hbm>>) target_semaphore(%arg14 : memref<!tpu.dma_semaphore, #tpu.memory_space<semaphore_mem>>)
    %dma_wait3A_140 = arith.constant 5 : i32
    %dma_wait3A_141 = arith.constant 0 : i32
    %dma_wait3A_142 = tpu.memref_slice %arg5[%dma_wait3A_140, %dma_wait3A_141] : memref<16x16xi32, #tpu.memory_space<vmem>> -> memref<1x16xi32, #tpu.memory_space<vmem>>
    %dma_wait3A_143 = tpu.memref_squeeze %dma_wait3A_142 : memref<1x16xi32, #tpu.memory_space<vmem>> -> memref<16xi32, #tpu.memory_space<vmem>>
    %dma_wait3A_144 = arith.constant 0 : i32
    %dma_wait3A_145 = arith.constant 0 : i32
    %dma_wait3A_146 = tpu.memref_slice %arg2[%dma_wait3A_144, %dma_wait3A_145] : memref<8192x1024xf32, #tpu.memory_space<hbm>> -> memref<8192x1024xf32, #tpu.memory_space<hbm>>
    tpu.wait_indirect_dma semaphore(%arg11 : memref<!tpu.dma_semaphore, #tpu.memory_space<semaphore_mem>>) src(%dma_wait3A_146 : memref<8192x1024xf32, #tpu.memory_space<hbm>>) dst(%arg7 : memref<16x1024xf32, #tpu.memory_space<vmem>>)
    %dma_wait3A_147 = arith.constant 0 : i32
    %dma_wait3A_148 = tpu.memref_slice %arg4[%add3A_135, %dma_wait3A_147] : memref<8192x1024xf32, #tpu.memory_space<hbm>> -> memref<16x1024xf32, #tpu.memory_space<hbm>>
    %dma_wait3A_149 = arith.constant 0 : i32
    %dma_wait3A_150 = tpu.memref_slice %arg4[%add3A_135, %dma_wait3A_149] : memref<8192x1024xf32, #tpu.memory_space<hbm>> -> memref<16x1024xf32, #tpu.memory_space<hbm>>
    tpu.wait_dma2 semaphore(%arg14 : memref<!tpu.dma_semaphore, #tpu.memory_space<semaphore_mem>>) src(%arg6 : memref<16x1024xf32, #tpu.memory_space<vmem>>) dst(%dma_wait3A_150 : memref<16x1024xf32, #tpu.memory_space<hbm>>)
    %dma_start3A_151 = arith.constant 8 : i32
    %dma_start3A_152 = arith.constant 0 : i32
    %dma_start3A_153 = tpu.memref_slice %arg5[%dma_start3A_151, %dma_start3A_152] : memref<16x16xi32, #tpu.memory_space<vmem>> -> memref<1x16xi32, #tpu.memory_space<vmem>>
    %dma_start3A_154 = tpu.memref_squeeze %dma_start3A_153 : memref<1x16xi32, #tpu.memory_space<vmem>> -> memref<16xi32, #tpu.memory_space<vmem>>
    %dma_start3A_155 = arith.constant 0 : i32
    %dma_start3A_156 = arith.constant 0 : i32
    %dma_start3A_157 = tpu.memref_slice %arg2[%dma_start3A_155, %dma_start3A_156] : memref<8192x1024xf32, #tpu.memory_space<hbm>> -> memref<8192x1024xf32, #tpu.memory_space<hbm>>
    tpu.enqueue_indirect_dma source(%dma_start3A_157 : memref<8192x1024xf32, #tpu.memory_space<hbm>>) target(%arg6 : memref<16x1024xf32, #tpu.memory_space<vmem>>) offsets(%dma_start3A_154 : memref<16xi32, #tpu.memory_space<vmem>>) semaphore(%arg10 : memref<!tpu.dma_semaphore, #tpu.memory_space<semaphore_mem>>)
    %add3A_158 = arith.constant 80 : i32
    %add3A_159 = arith.addi %mul3A_2, %add3A_158 : i32
    %dma_start3A_160 = arith.constant 0 : i32
    %dma_start3A_161 = tpu.memref_slice %arg4[%add3A_159, %dma_start3A_160] : memref<8192x1024xf32, #tpu.memory_space<hbm>> -> memref<16x1024xf32, #tpu.memory_space<hbm>>
    %dma_start3A_162 = arith.constant 0 : i32
    %dma_start3A_163 = tpu.memref_slice %arg4[%add3A_159, %dma_start3A_162] : memref<8192x1024xf32, #tpu.memory_space<hbm>> -> memref<16x1024xf32, #tpu.memory_space<hbm>>
    tpu.enqueue_dma source(%arg7 : memref<16x1024xf32, #tpu.memory_space<vmem>>) target(%dma_start3A_163 : memref<16x1024xf32, #tpu.memory_space<hbm>>) target_semaphore(%arg15 : memref<!tpu.dma_semaphore, #tpu.memory_space<semaphore_mem>>)
    %dma_wait3A_164 = arith.constant 6 : i32
    %dma_wait3A_165 = arith.constant 0 : i32
    %dma_wait3A_166 = tpu.memref_slice %arg5[%dma_wait3A_164, %dma_wait3A_165] : memref<16x16xi32, #tpu.memory_space<vmem>> -> memref<1x16xi32, #tpu.memory_space<vmem>>
    %dma_wait3A_167 = tpu.memref_squeeze %dma_wait3A_166 : memref<1x16xi32, #tpu.memory_space<vmem>> -> memref<16xi32, #tpu.memory_space<vmem>>
    %dma_wait3A_168 = arith.constant 0 : i32
    %dma_wait3A_169 = arith.constant 0 : i32
    %dma_wait3A_170 = tpu.memref_slice %arg2[%dma_wait3A_168, %dma_wait3A_169] : memref<8192x1024xf32, #tpu.memory_space<hbm>> -> memref<8192x1024xf32, #tpu.memory_space<hbm>>
    tpu.wait_indirect_dma semaphore(%arg12 : memref<!tpu.dma_semaphore, #tpu.memory_space<semaphore_mem>>) src(%dma_wait3A_170 : memref<8192x1024xf32, #tpu.memory_space<hbm>>) dst(%arg8 : memref<16x1024xf32, #tpu.memory_space<vmem>>)
    %dma_wait3A_171 = arith.constant 0 : i32
    %dma_wait3A_172 = tpu.memref_slice %arg4[%add3A_159, %dma_wait3A_171] : memref<8192x1024xf32, #tpu.memory_space<hbm>> -> memref<16x1024xf32, #tpu.memory_space<hbm>>
    %dma_wait3A_173 = arith.constant 0 : i32
    %dma_wait3A_174 = tpu.memref_slice %arg4[%add3A_159, %dma_wait3A_173] : memref<8192x1024xf32, #tpu.memory_space<hbm>> -> memref<16x1024xf32, #tpu.memory_space<hbm>>
    tpu.wait_dma2 semaphore(%arg15 : memref<!tpu.dma_semaphore, #tpu.memory_space<semaphore_mem>>) src(%arg7 : memref<16x1024xf32, #tpu.memory_space<vmem>>) dst(%dma_wait3A_174 : memref<16x1024xf32, #tpu.memory_space<hbm>>)
    %dma_start3A_175 = arith.constant 9 : i32
    %dma_start3A_176 = arith.constant 0 : i32
    %dma_start3A_177 = tpu.memref_slice %arg5[%dma_start3A_175, %dma_start3A_176] : memref<16x16xi32, #tpu.memory_space<vmem>> -> memref<1x16xi32, #tpu.memory_space<vmem>>
    %dma_start3A_178 = tpu.memref_squeeze %dma_start3A_177 : memref<1x16xi32, #tpu.memory_space<vmem>> -> memref<16xi32, #tpu.memory_space<vmem>>
    %dma_start3A_179 = arith.constant 0 : i32
    %dma_start3A_180 = arith.constant 0 : i32
    %dma_start3A_181 = tpu.memref_slice %arg2[%dma_start3A_179, %dma_start3A_180] : memref<8192x1024xf32, #tpu.memory_space<hbm>> -> memref<8192x1024xf32, #tpu.memory_space<hbm>>
    tpu.enqueue_indirect_dma source(%dma_start3A_181 : memref<8192x1024xf32, #tpu.memory_space<hbm>>) target(%arg7 : memref<16x1024xf32, #tpu.memory_space<vmem>>) offsets(%dma_start3A_178 : memref<16xi32, #tpu.memory_space<vmem>>) semaphore(%arg11 : memref<!tpu.dma_semaphore, #tpu.memory_space<semaphore_mem>>)
    %add3A_182 = arith.constant 96 : i32
    %add3A_183 = arith.addi %mul3A_2, %add3A_182 : i32
    %dma_start3A_184 = arith.constant 0 : i32
    %dma_start3A_185 = tpu.memref_slice %arg4[%add3A_183, %dma_start3A_184] : memref<8192x1024xf32, #tpu.memory_space<hbm>> -> memref<16x1024xf32, #tpu.memory_space<hbm>>
    %dma_start3A_186 = arith.constant 0 : i32
    %dma_start3A_187 = tpu.memref_slice %arg4[%add3A_183, %dma_start3A_186] : memref<8192x1024xf32, #tpu.memory_space<hbm>> -> memref<16x1024xf32, #tpu.memory_space<hbm>>
    tpu.enqueue_dma source(%arg8 : memref<16x1024xf32, #tpu.memory_space<vmem>>) target(%dma_start3A_187 : memref<16x1024xf32, #tpu.memory_space<hbm>>) target_semaphore(%arg16 : memref<!tpu.dma_semaphore, #tpu.memory_space<semaphore_mem>>)
    %dma_wait3A_188 = arith.constant 7 : i32
    %dma_wait3A_189 = arith.constant 0 : i32
    %dma_wait3A_190 = tpu.memref_slice %arg5[%dma_wait3A_188, %dma_wait3A_189] : memref<16x16xi32, #tpu.memory_space<vmem>> -> memref<1x16xi32, #tpu.memory_space<vmem>>
    %dma_wait3A_191 = tpu.memref_squeeze %dma_wait3A_190 : memref<1x16xi32, #tpu.memory_space<vmem>> -> memref<16xi32, #tpu.memory_space<vmem>>
    %dma_wait3A_192 = arith.constant 0 : i32
    %dma_wait3A_193 = arith.constant 0 : i32
    %dma_wait3A_194 = tpu.memref_slice %arg2[%dma_wait3A_192, %dma_wait3A_193] : memref<8192x1024xf32, #tpu.memory_space<hbm>> -> memref<8192x1024xf32, #tpu.memory_space<hbm>>
    tpu.wait_indirect_dma semaphore(%arg13 : memref<!tpu.dma_semaphore, #tpu.memory_space<semaphore_mem>>) src(%dma_wait3A_194 : memref<8192x1024xf32, #tpu.memory_space<hbm>>) dst(%arg9 : memref<16x1024xf32, #tpu.memory_space<vmem>>)
    %dma_wait3A_195 = arith.constant 0 : i32
    %dma_wait3A_196 = tpu.memref_slice %arg4[%add3A_183, %dma_wait3A_195] : memref<8192x1024xf32, #tpu.memory_space<hbm>> -> memref<16x1024xf32, #tpu.memory_space<hbm>>
    %dma_wait3A_197 = arith.constant 0 : i32
    %dma_wait3A_198 = tpu.memref_slice %arg4[%add3A_183, %dma_wait3A_197] : memref<8192x1024xf32, #tpu.memory_space<hbm>> -> memref<16x1024xf32, #tpu.memory_space<hbm>>
    tpu.wait_dma2 semaphore(%arg16 : memref<!tpu.dma_semaphore, #tpu.memory_space<semaphore_mem>>) src(%arg8 : memref<16x1024xf32, #tpu.memory_space<vmem>>) dst(%dma_wait3A_198 : memref<16x1024xf32, #tpu.memory_space<hbm>>)
    %dma_start3A_199 = arith.constant 10 : i32
    %dma_start3A_200 = arith.constant 0 : i32
    %dma_start3A_201 = tpu.memref_slice %arg5[%dma_start3A_199, %dma_start3A_200] : memref<16x16xi32, #tpu.memory_space<vmem>> -> memref<1x16xi32, #tpu.memory_space<vmem>>
    %dma_start3A_202 = tpu.memref_squeeze %dma_start3A_201 : memref<1x16xi32, #tpu.memory_space<vmem>> -> memref<16xi32, #tpu.memory_space<vmem>>
    %dma_start3A_203 = arith.constant 0 : i32
    %dma_start3A_204 = arith.constant 0 : i32
    %dma_start3A_205 = tpu.memref_slice %arg2[%dma_start3A_203, %dma_start3A_204] : memref<8192x1024xf32, #tpu.memory_space<hbm>> -> memref<8192x1024xf32, #tpu.memory_space<hbm>>
    tpu.enqueue_indirect_dma source(%dma_start3A_205 : memref<8192x1024xf32, #tpu.memory_space<hbm>>) target(%arg8 : memref<16x1024xf32, #tpu.memory_space<vmem>>) offsets(%dma_start3A_202 : memref<16xi32, #tpu.memory_space<vmem>>) semaphore(%arg12 : memref<!tpu.dma_semaphore, #tpu.memory_space<semaphore_mem>>)
    %add3A_206 = arith.constant 112 : i32
    %add3A_207 = arith.addi %mul3A_2, %add3A_206 : i32
    %dma_start3A_208 = arith.constant 0 : i32
    %dma_start3A_209 = tpu.memref_slice %arg4[%add3A_207, %dma_start3A_208] : memref<8192x1024xf32, #tpu.memory_space<hbm>> -> memref<16x1024xf32, #tpu.memory_space<hbm>>
    %dma_start3A_210 = arith.constant 0 : i32
    %dma_start3A_211 = tpu.memref_slice %arg4[%add3A_207, %dma_start3A_210] : memref<8192x1024xf32, #tpu.memory_space<hbm>> -> memref<16x1024xf32, #tpu.memory_space<hbm>>
    tpu.enqueue_dma source(%arg9 : memref<16x1024xf32, #tpu.memory_space<vmem>>) target(%dma_start3A_211 : memref<16x1024xf32, #tpu.memory_space<hbm>>) target_semaphore(%arg17 : memref<!tpu.dma_semaphore, #tpu.memory_space<semaphore_mem>>)
    %dma_wait3A_212 = arith.constant 8 : i32
    %dma_wait3A_213 = arith.constant 0 : i32
    %dma_wait3A_214 = tpu.memref_slice %arg5[%dma_wait3A_212, %dma_wait3A_213] : memref<16x16xi32, #tpu.memory_space<vmem>> -> memref<1x16xi32, #tpu.memory_space<vmem>>
    %dma_wait3A_215 = tpu.memref_squeeze %dma_wait3A_214 : memref<1x16xi32, #tpu.memory_space<vmem>> -> memref<16xi32, #tpu.memory_space<vmem>>
    %dma_wait3A_216 = arith.constant 0 : i32
    %dma_wait3A_217 = arith.constant 0 : i32
    %dma_wait3A_218 = tpu.memref_slice %arg2[%dma_wait3A_216, %dma_wait3A_217] : memref<8192x1024xf32, #tpu.memory_space<hbm>> -> memref<8192x1024xf32, #tpu.memory_space<hbm>>
    tpu.wait_indirect_dma semaphore(%arg10 : memref<!tpu.dma_semaphore, #tpu.memory_space<semaphore_mem>>) src(%dma_wait3A_218 : memref<8192x1024xf32, #tpu.memory_space<hbm>>) dst(%arg6 : memref<16x1024xf32, #tpu.memory_space<vmem>>)
    %dma_wait3A_219 = arith.constant 0 : i32
    %dma_wait3A_220 = tpu.memref_slice %arg4[%add3A_207, %dma_wait3A_219] : memref<8192x1024xf32, #tpu.memory_space<hbm>> -> memref<16x1024xf32, #tpu.memory_space<hbm>>
    %dma_wait3A_221 = arith.constant 0 : i32
    %dma_wait3A_222 = tpu.memref_slice %arg4[%add3A_207, %dma_wait3A_221] : memref<8192x1024xf32, #tpu.memory_space<hbm>> -> memref<16x1024xf32, #tpu.memory_space<hbm>>
    tpu.wait_dma2 semaphore(%arg17 : memref<!tpu.dma_semaphore, #tpu.memory_space<semaphore_mem>>) src(%arg9 : memref<16x1024xf32, #tpu.memory_space<vmem>>) dst(%dma_wait3A_222 : memref<16x1024xf32, #tpu.memory_space<hbm>>)
    %dma_start3A_223 = arith.constant 11 : i32
    %dma_start3A_224 = arith.constant 0 : i32
    %dma_start3A_225 = tpu.memref_slice %arg5[%dma_start3A_223, %dma_start3A_224] : memref<16x16xi32, #tpu.memory_space<vmem>> -> memref<1x16xi32, #tpu.memory_space<vmem>>
    %dma_start3A_226 = tpu.memref_squeeze %dma_start3A_225 : memref<1x16xi32, #tpu.memory_space<vmem>> -> memref<16xi32, #tpu.memory_space<vmem>>
    %dma_start3A_227 = arith.constant 0 : i32
    %dma_start3A_228 = arith.constant 0 : i32
    %dma_start3A_229 = tpu.memref_slice %arg2[%dma_start3A_227, %dma_start3A_228] : memref<8192x1024xf32, #tpu.memory_space<hbm>> -> memref<8192x1024xf32, #tpu.memory_space<hbm>>
    tpu.enqueue_indirect_dma source(%dma_start3A_229 : memref<8192x1024xf32, #tpu.memory_space<hbm>>) target(%arg9 : memref<16x1024xf32, #tpu.memory_space<vmem>>) offsets(%dma_start3A_226 : memref<16xi32, #tpu.memory_space<vmem>>) semaphore(%arg13 : memref<!tpu.dma_semaphore, #tpu.memory_space<semaphore_mem>>)
    %add3A_230 = arith.constant 128 : i32
    %add3A_231 = arith.addi %mul3A_2, %add3A_230 : i32
    %dma_start3A_232 = arith.constant 0 : i32
    %dma_start3A_233 = tpu.memref_slice %arg4[%add3A_231, %dma_start3A_232] : memref<8192x1024xf32, #tpu.memory_space<hbm>> -> memref<16x1024xf32, #tpu.memory_space<hbm>>
    %dma_start3A_234 = arith.constant 0 : i32
    %dma_start3A_235 = tpu.memref_slice %arg4[%add3A_231, %dma_start3A_234] : memref<8192x1024xf32, #tpu.memory_space<hbm>> -> memref<16x1024xf32, #tpu.memory_space<hbm>>
    tpu.enqueue_dma source(%arg6 : memref<16x1024xf32, #tpu.memory_space<vmem>>) target(%dma_start3A_235 : memref<16x1024xf32, #tpu.memory_space<hbm>>) target_semaphore(%arg14 : memref<!tpu.dma_semaphore, #tpu.memory_space<semaphore_mem>>)
    %dma_wait3A_236 = arith.constant 9 : i32
    %dma_wait3A_237 = arith.constant 0 : i32
    %dma_wait3A_238 = tpu.memref_slice %arg5[%dma_wait3A_236, %dma_wait3A_237] : memref<16x16xi32, #tpu.memory_space<vmem>> -> memref<1x16xi32, #tpu.memory_space<vmem>>
    %dma_wait3A_239 = tpu.memref_squeeze %dma_wait3A_238 : memref<1x16xi32, #tpu.memory_space<vmem>> -> memref<16xi32, #tpu.memory_space<vmem>>
    %dma_wait3A_240 = arith.constant 0 : i32
    %dma_wait3A_241 = arith.constant 0 : i32
    %dma_wait3A_242 = tpu.memref_slice %arg2[%dma_wait3A_240, %dma_wait3A_241] : memref<8192x1024xf32, #tpu.memory_space<hbm>> -> memref<8192x1024xf32, #tpu.memory_space<hbm>>
    tpu.wait_indirect_dma semaphore(%arg11 : memref<!tpu.dma_semaphore, #tpu.memory_space<semaphore_mem>>) src(%dma_wait3A_242 : memref<8192x1024xf32, #tpu.memory_space<hbm>>) dst(%arg7 : memref<16x1024xf32, #tpu.memory_space<vmem>>)
    %dma_wait3A_243 = arith.constant 0 : i32
    %dma_wait3A_244 = tpu.memref_slice %arg4[%add3A_231, %dma_wait3A_243] : memref<8192x1024xf32, #tpu.memory_space<hbm>> -> memref<16x1024xf32, #tpu.memory_space<hbm>>
    %dma_wait3A_245 = arith.constant 0 : i32
    %dma_wait3A_246 = tpu.memref_slice %arg4[%add3A_231, %dma_wait3A_245] : memref<8192x1024xf32, #tpu.memory_space<hbm>> -> memref<16x1024xf32, #tpu.memory_space<hbm>>
    tpu.wait_dma2 semaphore(%arg14 : memref<!tpu.dma_semaphore, #tpu.memory_space<semaphore_mem>>) src(%arg6 : memref<16x1024xf32, #tpu.memory_space<vmem>>) dst(%dma_wait3A_246 : memref<16x1024xf32, #tpu.memory_space<hbm>>)
    %dma_start3A_247 = arith.constant 12 : i32
    %dma_start3A_248 = arith.constant 0 : i32
    %dma_start3A_249 = tpu.memref_slice %arg5[%dma_start3A_247, %dma_start3A_248] : memref<16x16xi32, #tpu.memory_space<vmem>> -> memref<1x16xi32, #tpu.memory_space<vmem>>
    %dma_start3A_250 = tpu.memref_squeeze %dma_start3A_249 : memref<1x16xi32, #tpu.memory_space<vmem>> -> memref<16xi32, #tpu.memory_space<vmem>>
    %dma_start3A_251 = arith.constant 0 : i32
    %dma_start3A_252 = arith.constant 0 : i32
    %dma_start3A_253 = tpu.memref_slice %arg2[%dma_start3A_251, %dma_start3A_252] : memref<8192x1024xf32, #tpu.memory_space<hbm>> -> memref<8192x1024xf32, #tpu.memory_space<hbm>>
    tpu.enqueue_indirect_dma source(%dma_start3A_253 : memref<8192x1024xf32, #tpu.memory_space<hbm>>) target(%arg6 : memref<16x1024xf32, #tpu.memory_space<vmem>>) offsets(%dma_start3A_250 : memref<16xi32, #tpu.memory_space<vmem>>) semaphore(%arg10 : memref<!tpu.dma_semaphore, #tpu.memory_space<semaphore_mem>>)
    %add3A_254 = arith.constant 144 : i32
    %add3A_255 = arith.addi %mul3A_2, %add3A_254 : i32
    %dma_start3A_256 = arith.constant 0 : i32
    %dma_start3A_257 = tpu.memref_slice %arg4[%add3A_255, %dma_start3A_256] : memref<8192x1024xf32, #tpu.memory_space<hbm>> -> memref<16x1024xf32, #tpu.memory_space<hbm>>
    %dma_start3A_258 = arith.constant 0 : i32
    %dma_start3A_259 = tpu.memref_slice %arg4[%add3A_255, %dma_start3A_258] : memref<8192x1024xf32, #tpu.memory_space<hbm>> -> memref<16x1024xf32, #tpu.memory_space<hbm>>
    tpu.enqueue_dma source(%arg7 : memref<16x1024xf32, #tpu.memory_space<vmem>>) target(%dma_start3A_259 : memref<16x1024xf32, #tpu.memory_space<hbm>>) target_semaphore(%arg15 : memref<!tpu.dma_semaphore, #tpu.memory_space<semaphore_mem>>)
    %dma_wait3A_260 = arith.constant 10 : i32
    %dma_wait3A_261 = arith.constant 0 : i32
    %dma_wait3A_262 = tpu.memref_slice %arg5[%dma_wait3A_260, %dma_wait3A_261] : memref<16x16xi32, #tpu.memory_space<vmem>> -> memref<1x16xi32, #tpu.memory_space<vmem>>
    %dma_wait3A_263 = tpu.memref_squeeze %dma_wait3A_262 : memref<1x16xi32, #tpu.memory_space<vmem>> -> memref<16xi32, #tpu.memory_space<vmem>>
    %dma_wait3A_264 = arith.constant 0 : i32
    %dma_wait3A_265 = arith.constant 0 : i32
    %dma_wait3A_266 = tpu.memref_slice %arg2[%dma_wait3A_264, %dma_wait3A_265] : memref<8192x1024xf32, #tpu.memory_space<hbm>> -> memref<8192x1024xf32, #tpu.memory_space<hbm>>
    tpu.wait_indirect_dma semaphore(%arg12 : memref<!tpu.dma_semaphore, #tpu.memory_space<semaphore_mem>>) src(%dma_wait3A_266 : memref<8192x1024xf32, #tpu.memory_space<hbm>>) dst(%arg8 : memref<16x1024xf32, #tpu.memory_space<vmem>>)
    %dma_wait3A_267 = arith.constant 0 : i32
    %dma_wait3A_268 = tpu.memref_slice %arg4[%add3A_255, %dma_wait3A_267] : memref<8192x1024xf32, #tpu.memory_space<hbm>> -> memref<16x1024xf32, #tpu.memory_space<hbm>>
    %dma_wait3A_269 = arith.constant 0 : i32
    %dma_wait3A_270 = tpu.memref_slice %arg4[%add3A_255, %dma_wait3A_269] : memref<8192x1024xf32, #tpu.memory_space<hbm>> -> memref<16x1024xf32, #tpu.memory_space<hbm>>
    tpu.wait_dma2 semaphore(%arg15 : memref<!tpu.dma_semaphore, #tpu.memory_space<semaphore_mem>>) src(%arg7 : memref<16x1024xf32, #tpu.memory_space<vmem>>) dst(%dma_wait3A_270 : memref<16x1024xf32, #tpu.memory_space<hbm>>)
    %dma_start3A_271 = arith.constant 13 : i32
    %dma_start3A_272 = arith.constant 0 : i32
    %dma_start3A_273 = tpu.memref_slice %arg5[%dma_start3A_271, %dma_start3A_272] : memref<16x16xi32, #tpu.memory_space<vmem>> -> memref<1x16xi32, #tpu.memory_space<vmem>>
    %dma_start3A_274 = tpu.memref_squeeze %dma_start3A_273 : memref<1x16xi32, #tpu.memory_space<vmem>> -> memref<16xi32, #tpu.memory_space<vmem>>
    %dma_start3A_275 = arith.constant 0 : i32
    %dma_start3A_276 = arith.constant 0 : i32
    %dma_start3A_277 = tpu.memref_slice %arg2[%dma_start3A_275, %dma_start3A_276] : memref<8192x1024xf32, #tpu.memory_space<hbm>> -> memref<8192x1024xf32, #tpu.memory_space<hbm>>
    tpu.enqueue_indirect_dma source(%dma_start3A_277 : memref<8192x1024xf32, #tpu.memory_space<hbm>>) target(%arg7 : memref<16x1024xf32, #tpu.memory_space<vmem>>) offsets(%dma_start3A_274 : memref<16xi32, #tpu.memory_space<vmem>>) semaphore(%arg11 : memref<!tpu.dma_semaphore, #tpu.memory_space<semaphore_mem>>)
    %add3A_278 = arith.constant 160 : i32
    %add3A_279 = arith.addi %mul3A_2, %add3A_278 : i32
    %dma_start3A_280 = arith.constant 0 : i32
    %dma_start3A_281 = tpu.memref_slice %arg4[%add3A_279, %dma_start3A_280] : memref<8192x1024xf32, #tpu.memory_space<hbm>> -> memref<16x1024xf32, #tpu.memory_space<hbm>>
    %dma_start3A_282 = arith.constant 0 : i32
    %dma_start3A_283 = tpu.memref_slice %arg4[%add3A_279, %dma_start3A_282] : memref<8192x1024xf32, #tpu.memory_space<hbm>> -> memref<16x1024xf32, #tpu.memory_space<hbm>>
    tpu.enqueue_dma source(%arg8 : memref<16x1024xf32, #tpu.memory_space<vmem>>) target(%dma_start3A_283 : memref<16x1024xf32, #tpu.memory_space<hbm>>) target_semaphore(%arg16 : memref<!tpu.dma_semaphore, #tpu.memory_space<semaphore_mem>>)
    %dma_wait3A_284 = arith.constant 11 : i32
    %dma_wait3A_285 = arith.constant 0 : i32
    %dma_wait3A_286 = tpu.memref_slice %arg5[%dma_wait3A_284, %dma_wait3A_285] : memref<16x16xi32, #tpu.memory_space<vmem>> -> memref<1x16xi32, #tpu.memory_space<vmem>>
    %dma_wait3A_287 = tpu.memref_squeeze %dma_wait3A_286 : memref<1x16xi32, #tpu.memory_space<vmem>> -> memref<16xi32, #tpu.memory_space<vmem>>
    %dma_wait3A_288 = arith.constant 0 : i32
    %dma_wait3A_289 = arith.constant 0 : i32
    %dma_wait3A_290 = tpu.memref_slice %arg2[%dma_wait3A_288, %dma_wait3A_289] : memref<8192x1024xf32, #tpu.memory_space<hbm>> -> memref<8192x1024xf32, #tpu.memory_space<hbm>>
    tpu.wait_indirect_dma semaphore(%arg13 : memref<!tpu.dma_semaphore, #tpu.memory_space<semaphore_mem>>) src(%dma_wait3A_290 : memref<8192x1024xf32, #tpu.memory_space<hbm>>) dst(%arg9 : memref<16x1024xf32, #tpu.memory_space<vmem>>)
    %dma_wait3A_291 = arith.constant 0 : i32
    %dma_wait3A_292 = tpu.memref_slice %arg4[%add3A_279, %dma_wait3A_291] : memref<8192x1024xf32, #tpu.memory_space<hbm>> -> memref<16x1024xf32, #tpu.memory_space<hbm>>
    %dma_wait3A_293 = arith.constant 0 : i32
    %dma_wait3A_294 = tpu.memref_slice %arg4[%add3A_279, %dma_wait3A_293] : memref<8192x1024xf32, #tpu.memory_space<hbm>> -> memref<16x1024xf32, #tpu.memory_space<hbm>>
    tpu.wait_dma2 semaphore(%arg16 : memref<!tpu.dma_semaphore, #tpu.memory_space<semaphore_mem>>) src(%arg8 : memref<16x1024xf32, #tpu.memory_space<vmem>>) dst(%dma_wait3A_294 : memref<16x1024xf32, #tpu.memory_space<hbm>>)
    %dma_start3A_295 = arith.constant 14 : i32
    %dma_start3A_296 = arith.constant 0 : i32
    %dma_start3A_297 = tpu.memref_slice %arg5[%dma_start3A_295, %dma_start3A_296] : memref<16x16xi32, #tpu.memory_space<vmem>> -> memref<1x16xi32, #tpu.memory_space<vmem>>
    %dma_start3A_298 = tpu.memref_squeeze %dma_start3A_297 : memref<1x16xi32, #tpu.memory_space<vmem>> -> memref<16xi32, #tpu.memory_space<vmem>>
    %dma_start3A_299 = arith.constant 0 : i32
    %dma_start3A_300 = arith.constant 0 : i32
    %dma_start3A_301 = tpu.memref_slice %arg2[%dma_start3A_299, %dma_start3A_300] : memref<8192x1024xf32, #tpu.memory_space<hbm>> -> memref<8192x1024xf32, #tpu.memory_space<hbm>>
    tpu.enqueue_indirect_dma source(%dma_start3A_301 : memref<8192x1024xf32, #tpu.memory_space<hbm>>) target(%arg8 : memref<16x1024xf32, #tpu.memory_space<vmem>>) offsets(%dma_start3A_298 : memref<16xi32, #tpu.memory_space<vmem>>) semaphore(%arg12 : memref<!tpu.dma_semaphore, #tpu.memory_space<semaphore_mem>>)
    %add3A_302 = arith.constant 176 : i32
    %add3A_303 = arith.addi %mul3A_2, %add3A_302 : i32
    %dma_start3A_304 = arith.constant 0 : i32
    %dma_start3A_305 = tpu.memref_slice %arg4[%add3A_303, %dma_start3A_304] : memref<8192x1024xf32, #tpu.memory_space<hbm>> -> memref<16x1024xf32, #tpu.memory_space<hbm>>
    %dma_start3A_306 = arith.constant 0 : i32
    %dma_start3A_307 = tpu.memref_slice %arg4[%add3A_303, %dma_start3A_306] : memref<8192x1024xf32, #tpu.memory_space<hbm>> -> memref<16x1024xf32, #tpu.memory_space<hbm>>
    tpu.enqueue_dma source(%arg9 : memref<16x1024xf32, #tpu.memory_space<vmem>>) target(%dma_start3A_307 : memref<16x1024xf32, #tpu.memory_space<hbm>>) target_semaphore(%arg17 : memref<!tpu.dma_semaphore, #tpu.memory_space<semaphore_mem>>)
    %dma_wait3A_308 = arith.constant 12 : i32
    %dma_wait3A_309 = arith.constant 0 : i32
    %dma_wait3A_310 = tpu.memref_slice %arg5[%dma_wait3A_308, %dma_wait3A_309] : memref<16x16xi32, #tpu.memory_space<vmem>> -> memref<1x16xi32, #tpu.memory_space<vmem>>
    %dma_wait3A_311 = tpu.memref_squeeze %dma_wait3A_310 : memref<1x16xi32, #tpu.memory_space<vmem>> -> memref<16xi32, #tpu.memory_space<vmem>>
    %dma_wait3A_312 = arith.constant 0 : i32
    %dma_wait3A_313 = arith.constant 0 : i32
    %dma_wait3A_314 = tpu.memref_slice %arg2[%dma_wait3A_312, %dma_wait3A_313] : memref<8192x1024xf32, #tpu.memory_space<hbm>> -> memref<8192x1024xf32, #tpu.memory_space<hbm>>
    tpu.wait_indirect_dma semaphore(%arg10 : memref<!tpu.dma_semaphore, #tpu.memory_space<semaphore_mem>>) src(%dma_wait3A_314 : memref<8192x1024xf32, #tpu.memory_space<hbm>>) dst(%arg6 : memref<16x1024xf32, #tpu.memory_space<vmem>>)
    %dma_wait3A_315 = arith.constant 0 : i32
    %dma_wait3A_316 = tpu.memref_slice %arg4[%add3A_303, %dma_wait3A_315] : memref<8192x1024xf32, #tpu.memory_space<hbm>> -> memref<16x1024xf32, #tpu.memory_space<hbm>>
    %dma_wait3A_317 = arith.constant 0 : i32
    %dma_wait3A_318 = tpu.memref_slice %arg4[%add3A_303, %dma_wait3A_317] : memref<8192x1024xf32, #tpu.memory_space<hbm>> -> memref<16x1024xf32, #tpu.memory_space<hbm>>
    tpu.wait_dma2 semaphore(%arg17 : memref<!tpu.dma_semaphore, #tpu.memory_space<semaphore_mem>>) src(%arg9 : memref<16x1024xf32, #tpu.memory_space<vmem>>) dst(%dma_wait3A_318 : memref<16x1024xf32, #tpu.memory_space<hbm>>)
    %dma_start3A_319 = arith.constant 15 : i32
    %dma_start3A_320 = arith.constant 0 : i32
    %dma_start3A_321 = tpu.memref_slice %arg5[%dma_start3A_319, %dma_start3A_320] : memref<16x16xi32, #tpu.memory_space<vmem>> -> memref<1x16xi32, #tpu.memory_space<vmem>>
    %dma_start3A_322 = tpu.memref_squeeze %dma_start3A_321 : memref<1x16xi32, #tpu.memory_space<vmem>> -> memref<16xi32, #tpu.memory_space<vmem>>
    %dma_start3A_323 = arith.constant 0 : i32
    %dma_start3A_324 = arith.constant 0 : i32
    %dma_start3A_325 = tpu.memref_slice %arg2[%dma_start3A_323, %dma_start3A_324] : memref<8192x1024xf32, #tpu.memory_space<hbm>> -> memref<8192x1024xf32, #tpu.memory_space<hbm>>
    tpu.enqueue_indirect_dma source(%dma_start3A_325 : memref<8192x1024xf32, #tpu.memory_space<hbm>>) target(%arg9 : memref<16x1024xf32, #tpu.memory_space<vmem>>) offsets(%dma_start3A_322 : memref<16xi32, #tpu.memory_space<vmem>>) semaphore(%arg13 : memref<!tpu.dma_semaphore, #tpu.memory_space<semaphore_mem>>)
    %add3A_326 = arith.constant 192 : i32
    %add3A_327 = arith.addi %mul3A_2, %add3A_326 : i32
    %dma_start3A_328 = arith.constant 0 : i32
    %dma_start3A_329 = tpu.memref_slice %arg4[%add3A_327, %dma_start3A_328] : memref<8192x1024xf32, #tpu.memory_space<hbm>> -> memref<16x1024xf32, #tpu.memory_space<hbm>>
    %dma_start3A_330 = arith.constant 0 : i32
    %dma_start3A_331 = tpu.memref_slice %arg4[%add3A_327, %dma_start3A_330] : memref<8192x1024xf32, #tpu.memory_space<hbm>> -> memref<16x1024xf32, #tpu.memory_space<hbm>>
    tpu.enqueue_dma source(%arg6 : memref<16x1024xf32, #tpu.memory_space<vmem>>) target(%dma_start3A_331 : memref<16x1024xf32, #tpu.memory_space<hbm>>) target_semaphore(%arg14 : memref<!tpu.dma_semaphore, #tpu.memory_space<semaphore_mem>>)
    %dma_wait3A_332 = arith.constant 13 : i32
    %dma_wait3A_333 = arith.constant 0 : i32
    %dma_wait3A_334 = tpu.memref_slice %arg5[%dma_wait3A_332, %dma_wait3A_333] : memref<16x16xi32, #tpu.memory_space<vmem>> -> memref<1x16xi32, #tpu.memory_space<vmem>>
    %dma_wait3A_335 = tpu.memref_squeeze %dma_wait3A_334 : memref<1x16xi32, #tpu.memory_space<vmem>> -> memref<16xi32, #tpu.memory_space<vmem>>
    %dma_wait3A_336 = arith.constant 0 : i32
    %dma_wait3A_337 = arith.constant 0 : i32
    %dma_wait3A_338 = tpu.memref_slice %arg2[%dma_wait3A_336, %dma_wait3A_337] : memref<8192x1024xf32, #tpu.memory_space<hbm>> -> memref<8192x1024xf32, #tpu.memory_space<hbm>>
    tpu.wait_indirect_dma semaphore(%arg11 : memref<!tpu.dma_semaphore, #tpu.memory_space<semaphore_mem>>) src(%dma_wait3A_338 : memref<8192x1024xf32, #tpu.memory_space<hbm>>) dst(%arg7 : memref<16x1024xf32, #tpu.memory_space<vmem>>)
    %add3A_339 = arith.constant 208 : i32
    %add3A_340 = arith.addi %mul3A_2, %add3A_339 : i32
    %dma_start3A_341 = arith.constant 0 : i32
    %dma_start3A_342 = tpu.memref_slice %arg4[%add3A_340, %dma_start3A_341] : memref<8192x1024xf32, #tpu.memory_space<hbm>> -> memref<16x1024xf32, #tpu.memory_space<hbm>>
    %dma_start3A_343 = arith.constant 0 : i32
    %dma_start3A_344 = tpu.memref_slice %arg4[%add3A_340, %dma_start3A_343] : memref<8192x1024xf32, #tpu.memory_space<hbm>> -> memref<16x1024xf32, #tpu.memory_space<hbm>>
    tpu.enqueue_dma source(%arg7 : memref<16x1024xf32, #tpu.memory_space<vmem>>) target(%dma_start3A_344 : memref<16x1024xf32, #tpu.memory_space<hbm>>) target_semaphore(%arg15 : memref<!tpu.dma_semaphore, #tpu.memory_space<semaphore_mem>>)
    %dma_wait3A_345 = arith.constant 14 : i32
    %dma_wait3A_346 = arith.constant 0 : i32
    %dma_wait3A_347 = tpu.memref_slice %arg5[%dma_wait3A_345, %dma_wait3A_346] : memref<16x16xi32, #tpu.memory_space<vmem>> -> memref<1x16xi32, #tpu.memory_space<vmem>>
    %dma_wait3A_348 = tpu.memref_squeeze %dma_wait3A_347 : memref<1x16xi32, #tpu.memory_space<vmem>> -> memref<16xi32, #tpu.memory_space<vmem>>
    %dma_wait3A_349 = arith.constant 0 : i32
    %dma_wait3A_350 = arith.constant 0 : i32
    %dma_wait3A_351 = tpu.memref_slice %arg2[%dma_wait3A_349, %dma_wait3A_350] : memref<8192x1024xf32, #tpu.memory_space<hbm>> -> memref<8192x1024xf32, #tpu.memory_space<hbm>>
    tpu.wait_indirect_dma semaphore(%arg12 : memref<!tpu.dma_semaphore, #tpu.memory_space<semaphore_mem>>) src(%dma_wait3A_351 : memref<8192x1024xf32, #tpu.memory_space<hbm>>) dst(%arg8 : memref<16x1024xf32, #tpu.memory_space<vmem>>)
    %add3A_352 = arith.constant 224 : i32
    %add3A_353 = arith.addi %mul3A_2, %add3A_352 : i32
    %dma_start3A_354 = arith.constant 0 : i32
    %dma_start3A_355 = tpu.memref_slice %arg4[%add3A_353, %dma_start3A_354] : memref<8192x1024xf32, #tpu.memory_space<hbm>> -> memref<16x1024xf32, #tpu.memory_space<hbm>>
    %dma_start3A_356 = arith.constant 0 : i32
    %dma_start3A_357 = tpu.memref_slice %arg4[%add3A_353, %dma_start3A_356] : memref<8192x1024xf32, #tpu.memory_space<hbm>> -> memref<16x1024xf32, #tpu.memory_space<hbm>>
    tpu.enqueue_dma source(%arg8 : memref<16x1024xf32, #tpu.memory_space<vmem>>) target(%dma_start3A_357 : memref<16x1024xf32, #tpu.memory_space<hbm>>) target_semaphore(%arg16 : memref<!tpu.dma_semaphore, #tpu.memory_space<semaphore_mem>>)
    %dma_wait3A_358 = arith.constant 15 : i32
    %dma_wait3A_359 = arith.constant 0 : i32
    %dma_wait3A_360 = tpu.memref_slice %arg5[%dma_wait3A_358, %dma_wait3A_359] : memref<16x16xi32, #tpu.memory_space<vmem>> -> memref<1x16xi32, #tpu.memory_space<vmem>>
    %dma_wait3A_361 = tpu.memref_squeeze %dma_wait3A_360 : memref<1x16xi32, #tpu.memory_space<vmem>> -> memref<16xi32, #tpu.memory_space<vmem>>
    %dma_wait3A_362 = arith.constant 0 : i32
    %dma_wait3A_363 = arith.constant 0 : i32
    %dma_wait3A_364 = tpu.memref_slice %arg2[%dma_wait3A_362, %dma_wait3A_363] : memref<8192x1024xf32, #tpu.memory_space<hbm>> -> memref<8192x1024xf32, #tpu.memory_space<hbm>>
    tpu.wait_indirect_dma semaphore(%arg13 : memref<!tpu.dma_semaphore, #tpu.memory_space<semaphore_mem>>) src(%dma_wait3A_364 : memref<8192x1024xf32, #tpu.memory_space<hbm>>) dst(%arg9 : memref<16x1024xf32, #tpu.memory_space<vmem>>)
    %add3A_365 = arith.constant 240 : i32
    %add3A_366 = arith.addi %mul3A_2, %add3A_365 : i32
    %dma_start3A_367 = arith.constant 0 : i32
    %dma_start3A_368 = tpu.memref_slice %arg4[%add3A_366, %dma_start3A_367] : memref<8192x1024xf32, #tpu.memory_space<hbm>> -> memref<16x1024xf32, #tpu.memory_space<hbm>>
    %dma_start3A_369 = arith.constant 0 : i32
    %dma_start3A_370 = tpu.memref_slice %arg4[%add3A_366, %dma_start3A_369] : memref<8192x1024xf32, #tpu.memory_space<hbm>> -> memref<16x1024xf32, #tpu.memory_space<hbm>>
    tpu.enqueue_dma source(%arg9 : memref<16x1024xf32, #tpu.memory_space<vmem>>) target(%dma_start3A_370 : memref<16x1024xf32, #tpu.memory_space<hbm>>) target_semaphore(%arg17 : memref<!tpu.dma_semaphore, #tpu.memory_space<semaphore_mem>>)
    %dma_wait3A_371 = arith.constant 0 : i32
    %dma_wait3A_372 = tpu.memref_slice %arg4[%add3A_327, %dma_wait3A_371] : memref<8192x1024xf32, #tpu.memory_space<hbm>> -> memref<16x1024xf32, #tpu.memory_space<hbm>>
    %dma_wait3A_373 = arith.constant 0 : i32
    %dma_wait3A_374 = tpu.memref_slice %arg4[%add3A_327, %dma_wait3A_373] : memref<8192x1024xf32, #tpu.memory_space<hbm>> -> memref<16x1024xf32, #tpu.memory_space<hbm>>
    tpu.wait_dma2 semaphore(%arg14 : memref<!tpu.dma_semaphore, #tpu.memory_space<semaphore_mem>>) src(%arg6 : memref<16x1024xf32, #tpu.memory_space<vmem>>) dst(%dma_wait3A_374 : memref<16x1024xf32, #tpu.memory_space<hbm>>)
    %dma_wait3A_375 = arith.constant 0 : i32
    %dma_wait3A_376 = tpu.memref_slice %arg4[%add3A_340, %dma_wait3A_375] : memref<8192x1024xf32, #tpu.memory_space<hbm>> -> memref<16x1024xf32, #tpu.memory_space<hbm>>
    %dma_wait3A_377 = arith.constant 0 : i32
    %dma_wait3A_378 = tpu.memref_slice %arg4[%add3A_340, %dma_wait3A_377] : memref<8192x1024xf32, #tpu.memory_space<hbm>> -> memref<16x1024xf32, #tpu.memory_space<hbm>>
    tpu.wait_dma2 semaphore(%arg15 : memref<!tpu.dma_semaphore, #tpu.memory_space<semaphore_mem>>) src(%arg7 : memref<16x1024xf32, #tpu.memory_space<vmem>>) dst(%dma_wait3A_378 : memref<16x1024xf32, #tpu.memory_space<hbm>>)
    %dma_wait3A_379 = arith.constant 0 : i32
    %dma_wait3A_380 = tpu.memref_slice %arg4[%add3A_353, %dma_wait3A_379] : memref<8192x1024xf32, #tpu.memory_space<hbm>> -> memref<16x1024xf32, #tpu.memory_space<hbm>>
    %dma_wait3A_381 = arith.constant 0 : i32
    %dma_wait3A_382 = tpu.memref_slice %arg4[%add3A_353, %dma_wait3A_381] : memref<8192x1024xf32, #tpu.memory_space<hbm>> -> memref<16x1024xf32, #tpu.memory_space<hbm>>
    tpu.wait_dma2 semaphore(%arg16 : memref<!tpu.dma_semaphore, #tpu.memory_space<semaphore_mem>>) src(%arg8 : memref<16x1024xf32, #tpu.memory_space<vmem>>) dst(%dma_wait3A_382 : memref<16x1024xf32, #tpu.memory_space<hbm>>)
    %dma_wait3A_383 = arith.constant 0 : i32
    %dma_wait3A_384 = tpu.memref_slice %arg4[%add3A_366, %dma_wait3A_383] : memref<8192x1024xf32, #tpu.memory_space<hbm>> -> memref<16x1024xf32, #tpu.memory_space<hbm>>
    %dma_wait3A_385 = arith.constant 0 : i32
    %dma_wait3A_386 = tpu.memref_slice %arg4[%add3A_366, %dma_wait3A_385] : memref<8192x1024xf32, #tpu.memory_space<hbm>> -> memref<16x1024xf32, #tpu.memory_space<hbm>>
    tpu.wait_dma2 semaphore(%arg17 : memref<!tpu.dma_semaphore, #tpu.memory_space<semaphore_mem>>) src(%arg9 : memref<16x1024xf32, #tpu.memory_space<vmem>>) dst(%dma_wait3A_386 : memref<16x1024xf32, #tpu.memory_space<hbm>>)
    return
  }
}

module attributes {stable_mosaic.version = 14 : i64} {
  func.func @_stage1_body(%arg0: i32, %arg1: i32, %arg2: memref<1x512x1024xf32, #tpu.memory_space<vmem>>, %arg3: memref<1024x2048xbf16, #tpu.memory_space<vmem>>, %arg4: memref<1x2048xf32, #tpu.memory_space<vmem>>, %arg5: memref<1x2048xbf16, #tpu.memory_space<vmem>>, %arg6: memref<1x1x1x512xf32, #tpu.memory_space<vmem>>, %arg7: memref<1x512x1024xf32, #tpu.memory_space<vmem>>, %arg8: memref<1x1024xf32, #tpu.memory_space<vmem>>) attributes {dimension_semantics = [#tpu.dimension_semantics<arbitrary>, #tpu.dimension_semantics<arbitrary>], iteration_bounds = array<i64: 4, 4>, scalar_prefetch = 0 : i64, scratch_operands = 1 : i64, tpu.core_type = #tpu.core_type<tc>, window_params = [{transform_indices = @transform_0, window_bounds = array<i64: 1, 512, 1024>}, {pipeline_mode = #tpu.pipeline_mode<synchronous>, transform_indices = @transform_1, window_bounds = array<i64: 1024, 2048>}, {pipeline_mode = #tpu.pipeline_mode<synchronous>, transform_indices = @transform_2, window_bounds = array<i64: 1, 2048>}, {pipeline_mode = #tpu.pipeline_mode<synchronous>, transform_indices = @transform_3, window_bounds = array<i64: 1, 2048>}, {transform_indices = @transform_4, window_bounds = array<i64: 1, 1, 1, 512>}, {transform_indices = @transform_5, window_bounds = array<i64: 1, 512, 1024>}]} {
    %get3A = arith.constant 0 : index
    %get3A_0 = arith.constant 0 : index
    %get3A_1 = arith.constant 0 : index
    %get3A_2 = vector.load %arg2[%get3A, %get3A_0, %get3A_1] : memref<1x512x1024xf32, #tpu.memory_space<vmem>>, vector<1x512x1024xf32>
    %get3A_3 = vector.shape_cast %get3A_2 : vector<1x512x1024xf32> to vector<512x1024xf32>
    %convert_element_type3A = arith.truncf %get3A_3 : vector<512x1024xf32> to vector<512x1024xbf16>
    %get3A_4 = arith.constant 0 : index
    %get3A_5 = arith.constant 0 : index
    %get3A_6 = vector.load %arg3[%get3A_4, %get3A_5] : memref<1024x2048xbf16, #tpu.memory_space<vmem>>, vector<1024x2048xbf16>
    %dot_general3A = arith.constant dense<0.000000e+00> : vector<512x2048xf32>
    %dot_general3A_7 = tpu.matmul %convert_element_type3A, %get3A_6, %dot_general3A {dimension_numbers = #tpu.dot_dimension_numbers<[1], [0], [0], [1], [0, 0, 1, 1], [], []>, transpose_lhs_hint = false} : vector<512x1024xbf16>, vector<1024x2048xbf16>, vector<512x2048xf32> -> vector<512x2048xf32>
    %get3A_8 = arith.constant 0 : index
    %get3A_9 = arith.constant 0 : index
    %get3A_10 = vector.load %arg4[%get3A_8, %get3A_9] : memref<1x2048xf32, #tpu.memory_space<vmem>>, vector<1x2048xf32>
    %add3A = vector.broadcast %get3A_10 : vector<1x2048xf32> to vector<512x2048xf32>
    %add3A_11 = arith.addf %dot_general3A_7, %add3A : vector<512x2048xf32>
    %max3A = arith.constant 0.000000e+00 : f32
    %max3A_12 = vector.broadcast %max3A : f32 to vector<512x2048xf32>
    %max3A_13 = arith.maximumf %add3A_11, %max3A_12 : vector<512x2048xf32>
    %convert_element_type3A_14 = arith.truncf %max3A_13 : vector<512x2048xf32> to vector<512x2048xbf16>
    %convert_element_type3A_15 = arith.extf %convert_element_type3A_14 : vector<512x2048xbf16> to vector<512x2048xf32>
    %get3A_16 = arith.constant 0 : index
    %get3A_17 = arith.constant 0 : index
    %get3A_18 = vector.load %arg5[%get3A_16, %get3A_17] : memref<1x2048xbf16, #tpu.memory_space<vmem>>, vector<1x2048xbf16>
    %convert_element_type3A_19 = arith.extf %get3A_18 : vector<1x2048xbf16> to vector<1x2048xf32>
    %mul3A = vector.broadcast %convert_element_type3A_19 : vector<1x2048xf32> to vector<512x2048xf32>
    %mul3A_20 = arith.mulf %convert_element_type3A_15, %mul3A : vector<512x2048xf32>
    %reduce_sum3A = arith.constant dense<0.000000e+00> : vector<512xf32>
    %reduce_sum3A_21 = vector.multi_reduction <add>, %mul3A_20, %reduce_sum3A [1] : vector<512x2048xf32> to vector<512xf32>
    %reshape3A = vector.shape_cast %reduce_sum3A_21 : vector<512xf32> to vector<1x1x1x512xf32>
    %swap3A = arith.constant 0 : index
    %swap3A_22 = arith.constant 0 : index
    %swap3A_23 = arith.constant 0 : index
    %swap3A_24 = arith.constant 0 : index
    %swap3A_25 = vector.load %arg6[%swap3A, %swap3A_22, %swap3A_23, %swap3A_24] : memref<1x1x1x512xf32, #tpu.memory_space<vmem>>, vector<1x1x1x512xf32>
    tpu.vector_store %arg6[%swap3A, %swap3A_22, %swap3A_23, %swap3A_24], %reshape3A {strides = array<i32>} : memref<1x1x1x512xf32, #tpu.memory_space<vmem>>, vector<1x1x1x512xf32>,
    %iota3A = tpu.iota {dimensions = array<i32: 0>} : vector<512x512xi32>
    %iota3A_26 = tpu.iota {dimensions = array<i32: 1>} : vector<512x512xi32>
    %ge3A = arith.cmpi sge, %iota3A, %iota3A_26 : vector<512x512xi32>
    %convert_element_type3A_27 = arith.extui %ge3A : vector<512x512xi1> to vector<512x512xi32>
    %convert_element_type3A_28 = arith.sitofp %convert_element_type3A_27 : vector<512x512xi32> to vector<512x512xf32>
    %convert_element_type3A_29 = arith.truncf %convert_element_type3A_28 : vector<512x512xf32> to vector<512x512xbf16>
    %dot_general3A_30 = arith.constant dense<0.000000e+00> : vector<512x1024xf32>
    %dot_general3A_31 = tpu.matmul %convert_element_type3A_29, %convert_element_type3A, %dot_general3A_30 {dimension_numbers = #tpu.dot_dimension_numbers<[1], [0], [0], [1], [0, 0, 1, 1], [], []>, transpose_lhs_hint = false} : vector<512x512xbf16>, vector<512x1024xbf16>, vector<512x1024xf32> -> vector<512x1024xf32>
    %eq3A = arith.constant 0 : i32
    %eq3A_32 = arith.cmpi eq, %arg1, %eq3A : i32
    %convert_element_type3A_33 = arith.extui %eq3A_32 : i1 to i32
    %cond3A = arith.constant 0 : i32
    %cond3A_34 = arith.cmpi ne, %convert_element_type3A_33, %cond3A : i32
    scf.if %cond3A_34 {
      %broadcast_in_dim3A = arith.constant 0.000000e+00 : f32
      %broadcast_in_dim3A_49 = vector.broadcast %broadcast_in_dim3A : f32 to vector<1x1024xf32>
      %swap3A_50 = arith.constant 0 : index
      %swap3A_51 = arith.constant 0 : index
      %swap3A_52 = vector.load %arg8[%swap3A_50, %swap3A_51] : memref<1x1024xf32, #tpu.memory_space<vmem>>, vector<1x1024xf32>
      tpu.vector_store %arg8[%swap3A_50, %swap3A_51], %broadcast_in_dim3A_49 {strides = array<i32>} : memref<1x1024xf32, #tpu.memory_space<vmem>>, vector<1x1024xf32>,
    } else {
    }
    %get3A_35 = arith.constant 0 : index
    %get3A_36 = arith.constant 0 : index
    %get3A_37 = vector.load %arg8[%get3A_35, %get3A_36] : memref<1x1024xf32, #tpu.memory_space<vmem>>, vector<1x1024xf32>
    %add3A_38 = vector.broadcast %get3A_37 : vector<1x1024xf32> to vector<512x1024xf32>
    %add3A_39 = arith.addf %dot_general3A_31, %add3A_38 : vector<512x1024xf32>
    %swap3A_40 = arith.constant 0 : index
    %swap3A_41 = arith.constant 0 : index
    %swap3A_42 = arith.constant 0 : index
    %swap3A_43 = vector.load %arg7[%swap3A_40, %swap3A_41, %swap3A_42] : memref<1x512x1024xf32, #tpu.memory_space<vmem>>, vector<1x512x1024xf32>
    %swap3A_44 = vector.shape_cast %swap3A_43 : vector<1x512x1024xf32> to vector<512x1024xf32>
    %swap3A_45 = vector.shape_cast %add3A_39 : vector<512x1024xf32> to vector<1x512x1024xf32>
    tpu.vector_store %arg7[%swap3A_40, %swap3A_41, %swap3A_42], %swap3A_45 {strides = array<i32>} : memref<1x512x1024xf32, #tpu.memory_space<vmem>>, vector<1x512x1024xf32>,
    %slice3A = vector.extract_strided_slice %add3A_39 {offsets = [511, 0], sizes = [1, 1024], strides = [1, 1]} : vector<512x1024xf32> to vector<1x1024xf32>
    %swap3A_46 = arith.constant 0 : index
    %swap3A_47 = arith.constant 0 : index
    %swap3A_48 = vector.load %arg8[%swap3A_46, %swap3A_47] : memref<1x1024xf32, #tpu.memory_space<vmem>>, vector<1x1024xf32>
    tpu.vector_store %arg8[%swap3A_46, %swap3A_47], %slice3A {strides = array<i32>} : memref<1x1024xf32, #tpu.memory_space<vmem>>, vector<1x1024xf32>,
    return
  }
  func.func @transform_0(%arg0: i32, %arg1: i32) -> (i32, i32, i32) {
    %c0_i32 = arith.constant 0 : i32
    %c0_i32_0 = arith.constant 0 : i32
    return %arg0, %arg1, %c0_i32 : i32, i32, i32
  }
  func.func @transform_1(%arg0: i32, %arg1: i32) -> (i32, i32) {
    %c0_i32 = arith.constant 0 : i32
    %c0_i32_0 = arith.constant 0 : i32
    %c0_i32_1 = arith.constant 0 : i32
    return %c0_i32, %c0_i32_0 : i32, i32
  }
  func.func @transform_2(%arg0: i32, %arg1: i32) -> (i32, i32) {
    %c0_i32 = arith.constant 0 : i32
    %c0_i32_0 = arith.constant 0 : i32
    %c0_i32_1 = arith.constant 0 : i32
    return %c0_i32, %c0_i32_0 : i32, i32
  }
  func.func @transform_3(%arg0: i32, %arg1: i32) -> (i32, i32) {
    %c0_i32 = arith.constant 0 : i32
    %c0_i32_0 = arith.constant 0 : i32
    %c0_i32_1 = arith.constant 0 : i32
    return %c0_i32, %c0_i32_0 : i32, i32
  }
  func.func @transform_4(%arg0: i32, %arg1: i32) -> (i32, i32, i32, i32) {
    %c0_i32 = arith.constant 0 : i32
    %c0_i32_0 = arith.constant 0 : i32
    %c0_i32_1 = arith.constant 0 : i32
    return %arg0, %arg1, %c0_i32, %c0_i32_0 : i32, i32, i32, i32
  }
  func.func @transform_5(%arg0: i32, %arg1: i32) -> (i32, i32, i32) {
    %c0_i32 = arith.constant 0 : i32
    %c0_i32_0 = arith.constant 0 : i32
    return %arg0, %arg1, %c0_i32 : i32, i32, i32
  }
}

module attributes {stable_mosaic.version = 14 : i64} {
  func.func @_stage2_body(%arg0: memref<4x2048xf32, #tpu.memory_space<vmem>>, %arg1: memref<4x2048xf32, #tpu.memory_space<vmem>>, %arg2: memref<1x1xf32, #tpu.memory_space<smem>>, %arg3: memref<4x2048x1xi32, #tpu.memory_space<vmem>>, %arg4: memref<4x2048x1xf32, #tpu.memory_space<vmem>>, %arg5: memref<1x1xf32, #tpu.memory_space<smem>>) attributes {dimension_semantics = [], scalar_prefetch = 0 : i64, scratch_operands = 0 : i64, tpu.core_type = #tpu.core_type<tc>} {
    %get3A = arith.constant 0 : index
    %get3A_0 = arith.constant 0 : index
    %get3A_1 = vector.load %arg0[%get3A, %get3A_0] : memref<4x2048xf32, #tpu.memory_space<vmem>>, vector<4x2048xf32>
    %get3A_2 = arith.constant 0 : index
    %get3A_3 = arith.constant 0 : index
    %get3A_4 = memref.load %arg2[%get3A_2, %get3A_3] : memref<1x1xf32, #tpu.memory_space<smem>>
    %add3A = vector.broadcast %get3A_4 : f32 to vector<4x2048xf32>
    %add3A_5 = arith.addf %get3A_1, %add3A : vector<4x2048xf32>
    %neg3A = arith.constant 0.000000e+00 : f32
    %neg3A_6 = vector.broadcast %neg3A : f32 to vector<4x2048xf32>
    %neg3A_7 = arith.subf %neg3A_6, %add3A_5 : vector<4x2048xf32>
    %exp3A = math.exp %neg3A_7 : vector<4x2048xf32>
    %add3A_8 = arith.constant 1.000000e+00 : f32
    %add3A_9 = vector.broadcast %add3A_8 : f32 to vector<4x2048xf32>
    %add3A_10 = arith.addf %add3A_9, %exp3A : vector<4x2048xf32>
    %div3A = arith.constant 1.000000e+00 : f32
    %div3A_11 = vector.broadcast %div3A : f32 to vector<4x2048xf32>
    %div3A_12 = arith.divf %div3A_11, %add3A_10 : vector<4x2048xf32>
    %get3A_13 = arith.constant 0 : index
    %get3A_14 = arith.constant 0 : index
    %get3A_15 = vector.load %arg1[%get3A_13, %get3A_14] : memref<4x2048xf32, #tpu.memory_space<vmem>>, vector<4x2048xf32>
    %add3A_16 = arith.constant 9.99999993E-9 : f32
    %add3A_17 = vector.broadcast %add3A_16 : f32 to vector<4x2048xf32>
    %add3A_18 = arith.addf %div3A_12, %add3A_17 : vector<4x2048xf32>
    %log3A = math.log %add3A_18 : vector<4x2048xf32>
    %sub3A = arith.constant 1.000000e+00 : f32
    %sub3A_19 = vector.broadcast %sub3A : f32 to vector<4x2048xf32>
    %sub3A_20 = arith.subf %sub3A_19, %div3A_12 : vector<4x2048xf32>
    %add3A_21 = arith.constant 9.99999993E-9 : f32
    %add3A_22 = vector.broadcast %add3A_21 : f32 to vector<4x2048xf32>
    %add3A_23 = arith.addf %sub3A_20, %add3A_22 : vector<4x2048xf32>
    %log3A_24 = math.log %add3A_23 : vector<4x2048xf32>
    %sub3A_25 = arith.subf %log3A, %log3A_24 : vector<4x2048xf32>
    %log3A_26 = math.log %get3A_15 : vector<4x2048xf32>
    %add3A_27 = arith.addf %sub3A_25, %log3A_26 : vector<4x2048xf32>
    %sub3A_28 = arith.constant 1.000000e+00 : f32
    %sub3A_29 = vector.broadcast %sub3A_28 : f32 to vector<4x2048xf32>
    %sub3A_30 = arith.subf %sub3A_29, %get3A_15 : vector<4x2048xf32>
    %log3A_31 = math.log %sub3A_30 : vector<4x2048xf32>
    %sub3A_32 = arith.subf %add3A_27, %log3A_31 : vector<4x2048xf32>
    %div3A_33 = arith.constant 1.000000e+00 : f32
    %div3A_34 = vector.broadcast %div3A_33 : f32 to vector<4x2048xf32>
    %div3A_35 = arith.divf %sub3A_32, %div3A_34 : vector<4x2048xf32>
    %neg3A_36 = arith.constant 0.000000e+00 : f32
    %neg3A_37 = vector.broadcast %neg3A_36 : f32 to vector<4x2048xf32>
    %neg3A_38 = arith.subf %neg3A_37, %div3A_35 : vector<4x2048xf32>
    %exp3A_39 = math.exp %neg3A_38 : vector<4x2048xf32>
    %add3A_40 = arith.constant 1.000000e+00 : f32
    %add3A_41 = vector.broadcast %add3A_40 : f32 to vector<4x2048xf32>
    %add3A_42 = arith.addf %add3A_41, %exp3A_39 : vector<4x2048xf32>
    %div3A_43 = arith.constant 1.000000e+00 : f32
    %div3A_44 = vector.broadcast %div3A_43 : f32 to vector<4x2048xf32>
    %div3A_45 = arith.divf %div3A_44, %add3A_42 : vector<4x2048xf32>
    %gt3A = arith.constant 5.000000e-01 : f32
    %gt3A_46 = vector.broadcast %gt3A : f32 to vector<4x2048xf32>
    %gt3A_47 = arith.cmpf ogt, %div3A_45, %gt3A_46 : vector<4x2048xf32>
    %convert_element_type3A = arith.extui %gt3A_47 : vector<4x2048xi1> to vector<4x2048xi32>
    %convert_element_type3A_48 = arith.sitofp %convert_element_type3A : vector<4x2048xi32> to vector<4x2048xf32>
    %reduce_sum3A = vector.shape_cast %convert_element_type3A_48 : vector<4x2048xf32> to vector<1x4x2048xf32>
    %reduce_sum3A_49 = arith.constant dense<0.000000e+00> : vector<1xf32>
    %reduce_sum3A_50 = vector.multi_reduction <add>, %reduce_sum3A, %reduce_sum3A_49 [1, 2] : vector<1x4x2048xf32> to vector<1xf32>
    %reduce_sum3A_51 = vector.shape_cast %reduce_sum3A_50 : vector<1xf32> to vector<1x1x1xf32>
    %reduce_sum3A_52 = vector.extract %reduce_sum3A_51[0, 0, 0] : f32 from vector<1x1x1xf32>
    %swap3A = arith.constant 0 : index
    %swap3A_53 = arith.constant 0 : index
    %swap3A_54 = memref.load %arg5[%swap3A, %swap3A_53] : memref<1x1xf32, #tpu.memory_space<smem>>
    memref.store %reduce_sum3A_52, %arg5[%swap3A, %swap3A_53] : memref<1x1xf32, #tpu.memory_space<smem>>
    %broadcast_in_dim3A = arith.constant 0 : i32
    %broadcast_in_dim3A_55 = vector.broadcast %broadcast_in_dim3A : i32 to vector<4x1xi32>
    %slice3A = vector.extract_strided_slice %convert_element_type3A {offsets = [0, 0], sizes = [4, 2047], strides = [1, 1]} : vector<4x2048xi32> to vector<4x2047xi32>
    %concatenate3A = tpu.concatenate %broadcast_in_dim3A_55, %slice3A in 1 : vector<4x1xi32>, vector<4x2047xi32> -> vector<4x2048xi32>
    %add3A_56 = arith.addi %convert_element_type3A, %concatenate3A : vector<4x2048xi32>
    %broadcast_in_dim3A_57 = arith.constant 0 : i32
    %broadcast_in_dim3A_58 = vector.broadcast %broadcast_in_dim3A_57 : i32 to vector<4x2xi32>
    %slice3A_59 = vector.extract_strided_slice %add3A_56 {offsets = [0, 0], sizes = [4, 2046], strides = [1, 1]} : vector<4x2048xi32> to vector<4x2046xi32>
    %concatenate3A_60 = tpu.concatenate %broadcast_in_dim3A_58, %slice3A_59 in 1 : vector<4x2xi32>, vector<4x2046xi32> -> vector<4x2048xi32>
    %add3A_61 = arith.addi %add3A_56, %concatenate3A_60 : vector<4x2048xi32>
    %broadcast_in_dim3A_62 = arith.constant 0 : i32
    %broadcast_in_dim3A_63 = vector.broadcast %broadcast_in_dim3A_62 : i32 to vector<4x4xi32>
    %slice3A_64 = vector.extract_strided_slice %add3A_61 {offsets = [0, 0], sizes = [4, 2044], strides = [1, 1]} : vector<4x2048xi32> to vector<4x2044xi32>
    %concatenate3A_65 = tpu.concatenate %broadcast_in_dim3A_63, %slice3A_64 in 1 : vector<4x4xi32>, vector<4x2044xi32> -> vector<4x2048xi32>
    %add3A_66 = arith.addi %add3A_61, %concatenate3A_65 : vector<4x2048xi32>
    %broadcast_in_dim3A_67 = arith.constant 0 : i32
    %broadcast_in_dim3A_68 = vector.broadcast %broadcast_in_dim3A_67 : i32 to vector<4x8xi32>
    %slice3A_69 = vector.extract_strided_slice %add3A_66 {offsets = [0, 0], sizes = [4, 2040], strides = [1, 1]} : vector<4x2048xi32> to vector<4x2040xi32>
    %concatenate3A_70 = tpu.concatenate %broadcast_in_dim3A_68, %slice3A_69 in 1 : vector<4x8xi32>, vector<4x2040xi32> -> vector<4x2048xi32>
    %add3A_71 = arith.addi %add3A_66, %concatenate3A_70 : vector<4x2048xi32>
    %broadcast_in_dim3A_72 = arith.constant 0 : i32
    %broadcast_in_dim3A_73 = vector.broadcast %broadcast_in_dim3A_72 : i32 to vector<4x16xi32>
    %slice3A_74 = vector.extract_strided_slice %add3A_71 {offsets = [0, 0], sizes = [4, 2032], strides = [1, 1]} : vector<4x2048xi32> to vector<4x2032xi32>
    %concatenate3A_75 = tpu.concatenate %broadcast_in_dim3A_73, %slice3A_74 in 1 : vector<4x16xi32>, vector<4x2032xi32> -> vector<4x2048xi32>
    %add3A_76 = arith.addi %add3A_71, %concatenate3A_75 : vector<4x2048xi32>
    %broadcast_in_dim3A_77 = arith.constant 0 : i32
    %broadcast_in_dim3A_78 = vector.broadcast %broadcast_in_dim3A_77 : i32 to vector<4x32xi32>
    %slice3A_79 = vector.extract_strided_slice %add3A_76 {offsets = [0, 0], sizes = [4, 2016], strides = [1, 1]} : vector<4x2048xi32> to vector<4x2016xi32>
    %concatenate3A_80 = tpu.concatenate %broadcast_in_dim3A_78, %slice3A_79 in 1 : vector<4x32xi32>, vector<4x2016xi32> -> vector<4x2048xi32>
    %add3A_81 = arith.addi %add3A_76, %concatenate3A_80 : vector<4x2048xi32>
    %broadcast_in_dim3A_82 = arith.constant 0 : i32
    %broadcast_in_dim3A_83 = vector.broadcast %broadcast_in_dim3A_82 : i32 to vector<4x64xi32>
    %slice3A_84 = vector.extract_strided_slice %add3A_81 {offsets = [0, 0], sizes = [4, 1984], strides = [1, 1]} : vector<4x2048xi32> to vector<4x1984xi32>
    %concatenate3A_85 = tpu.concatenate %broadcast_in_dim3A_83, %slice3A_84 in 1 : vector<4x64xi32>, vector<4x1984xi32> -> vector<4x2048xi32>
    %add3A_86 = arith.addi %add3A_81, %concatenate3A_85 : vector<4x2048xi32>
    %broadcast_in_dim3A_87 = arith.constant 0 : i32
    %broadcast_in_dim3A_88 = vector.broadcast %broadcast_in_dim3A_87 : i32 to vector<4x128xi32>
    %slice3A_89 = vector.extract_strided_slice %add3A_86 {offsets = [0, 0], sizes = [4, 1920], strides = [1, 1]} : vector<4x2048xi32> to vector<4x1920xi32>
    %concatenate3A_90 = tpu.concatenate %broadcast_in_dim3A_88, %slice3A_89 in 1 : vector<4x128xi32>, vector<4x1920xi32> -> vector<4x2048xi32>
    %add3A_91 = arith.addi %add3A_86, %concatenate3A_90 : vector<4x2048xi32>
    %broadcast_in_dim3A_92 = arith.constant 0 : i32
    %broadcast_in_dim3A_93 = vector.broadcast %broadcast_in_dim3A_92 : i32 to vector<4x256xi32>
    %slice3A_94 = vector.extract_strided_slice %add3A_91 {offsets = [0, 0], sizes = [4, 1792], strides = [1, 1]} : vector<4x2048xi32> to vector<4x1792xi32>
    %concatenate3A_95 = tpu.concatenate %broadcast_in_dim3A_93, %slice3A_94 in 1 : vector<4x256xi32>, vector<4x1792xi32> -> vector<4x2048xi32>
    %add3A_96 = arith.addi %add3A_91, %concatenate3A_95 : vector<4x2048xi32>
    %broadcast_in_dim3A_97 = arith.constant 0 : i32
    %broadcast_in_dim3A_98 = vector.broadcast %broadcast_in_dim3A_97 : i32 to vector<4x512xi32>
    %slice3A_99 = vector.extract_strided_slice %add3A_96 {offsets = [0, 0], sizes = [4, 1536], strides = [1, 1]} : vector<4x2048xi32> to vector<4x1536xi32>
    %concatenate3A_100 = tpu.concatenate %broadcast_in_dim3A_98, %slice3A_99 in 1 : vector<4x512xi32>, vector<4x1536xi32> -> vector<4x2048xi32>
    %add3A_101 = arith.addi %add3A_96, %concatenate3A_100 : vector<4x2048xi32>
    %broadcast_in_dim3A_102 = arith.constant 0 : i32
    %broadcast_in_dim3A_103 = vector.broadcast %broadcast_in_dim3A_102 : i32 to vector<4x1024xi32>
    %slice3A_104 = vector.extract_strided_slice %add3A_101 {offsets = [0, 0], sizes = [4, 1024], strides = [1, 1]} : vector<4x2048xi32> to vector<4x1024xi32>
    %concatenate3A_105 = tpu.concatenate %broadcast_in_dim3A_103, %slice3A_104 in 1 : vector<4x1024xi32>, vector<4x1024xi32> -> vector<4x2048xi32>
    %add3A_106 = arith.addi %add3A_101, %concatenate3A_105 : vector<4x2048xi32>
    %sub3A_107 = arith.subi %add3A_106, %convert_element_type3A : vector<4x2048xi32>
    %slice3A_108 = vector.extract_strided_slice %sub3A_107 {offsets = [0, 0], sizes = [1, 2048], strides = [1, 1]} : vector<4x2048xi32> to vector<1x2048xi32>
    %iota3A = tpu.iota {dimensions = array<i32: 0>} : vector<256x1xi32>
    %add3A_109 = arith.constant 0 : i32
    %add3A_110 = vector.broadcast %add3A_109 : i32 to vector<256x1xi32>
    %add3A_111 = arith.addi %iota3A, %add3A_110 : vector<256x1xi32>
    %le3A = vector.broadcast %slice3A_108 : vector<1x2048xi32> to vector<256x2048xi32>
    %le3A_112 = vector.broadcast %add3A_111 : vector<256x1xi32> to vector<256x2048xi32>
    %le3A_113 = arith.cmpi sle, %le3A, %le3A_112 : vector<256x2048xi32>
    %convert_element_type3A_114 = arith.extui %le3A_113 : vector<256x2048xi1> to vector<256x2048xi32>
    %reduce_sum3A_115 = arith.constant dense<0> : vector<256xi32>
    %reduce_sum3A_116 = vector.multi_reduction <add>, %convert_element_type3A_114, %reduce_sum3A_115 [1] : vector<256x2048xi32> to vector<256xi32>
    %broadcast_in_dim3A_117 = vector.shape_cast %reduce_sum3A_116 : vector<256xi32> to vector<256x1xi32>
    %iota3A_118 = tpu.iota {dimensions = array<i32: 0>} : vector<256x1xi32>
    %add3A_119 = arith.constant 256 : i32
    %add3A_120 = vector.broadcast %add3A_119 : i32 to vector<256x1xi32>
    %add3A_121 = arith.addi %iota3A_118, %add3A_120 : vector<256x1xi32>
    %le3A_122 = vector.broadcast %slice3A_108 : vector<1x2048xi32> to vector<256x2048xi32>
    %le3A_123 = vector.broadcast %add3A_121 : vector<256x1xi32> to vector<256x2048xi32>
    %le3A_124 = arith.cmpi sle, %le3A_122, %le3A_123 : vector<256x2048xi32>
    %convert_element_type3A_125 = arith.extui %le3A_124 : vector<256x2048xi1> to vector<256x2048xi32>
    %reduce_sum3A_126 = arith.constant dense<0> : vector<256xi32>
    %reduce_sum3A_127 = vector.multi_reduction <add>, %convert_element_type3A_125, %reduce_sum3A_126 [1] : vector<256x2048xi32> to vector<256xi32>
    %broadcast_in_dim3A_128 = vector.shape_cast %reduce_sum3A_127 : vector<256xi32> to vector<256x1xi32>
    %iota3A_129 = tpu.iota {dimensions = array<i32: 0>} : vector<256x1xi32>
    %add3A_130 = arith.constant 512 : i32
    %add3A_131 = vector.broadcast %add3A_130 : i32 to vector<256x1xi32>
    %add3A_132 = arith.addi %iota3A_129, %add3A_131 : vector<256x1xi32>
    %le3A_133 = vector.broadcast %slice3A_108 : vector<1x2048xi32> to vector<256x2048xi32>
    %le3A_134 = vector.broadcast %add3A_132 : vector<256x1xi32> to vector<256x2048xi32>
    %le3A_135 = arith.cmpi sle, %le3A_133, %le3A_134 : vector<256x2048xi32>
    %convert_element_type3A_136 = arith.extui %le3A_135 : vector<256x2048xi1> to vector<256x2048xi32>
    %reduce_sum3A_137 = arith.constant dense<0> : vector<256xi32>
    %reduce_sum3A_138 = vector.multi_reduction <add>, %convert_element_type3A_136, %reduce_sum3A_137 [1] : vector<256x2048xi32> to vector<256xi32>
    %broadcast_in_dim3A_139 = vector.shape_cast %reduce_sum3A_138 : vector<256xi32> to vector<256x1xi32>
    %iota3A_140 = tpu.iota {dimensions = array<i32: 0>} : vector<256x1xi32>
    %add3A_141 = arith.constant 768 : i32
    %add3A_142 = vector.broadcast %add3A_141 : i32 to vector<256x1xi32>
    %add3A_143 = arith.addi %iota3A_140, %add3A_142 : vector<256x1xi32>
    %le3A_144 = vector.broadcast %slice3A_108 : vector<1x2048xi32> to vector<256x2048xi32>
    %le3A_145 = vector.broadcast %add3A_143 : vector<256x1xi32> to vector<256x2048xi32>
    %le3A_146 = arith.cmpi sle, %le3A_144, %le3A_145 : vector<256x2048xi32>
    %convert_element_type3A_147 = arith.extui %le3A_146 : vector<256x2048xi1> to vector<256x2048xi32>
    %reduce_sum3A_148 = arith.constant dense<0> : vector<256xi32>
    %reduce_sum3A_149 = vector.multi_reduction <add>, %convert_element_type3A_147, %reduce_sum3A_148 [1] : vector<256x2048xi32> to vector<256xi32>
    %broadcast_in_dim3A_150 = vector.shape_cast %reduce_sum3A_149 : vector<256xi32> to vector<256x1xi32>
    %iota3A_151 = tpu.iota {dimensions = array<i32: 0>} : vector<256x1xi32>
    %add3A_152 = arith.constant 1024 : i32
    %add3A_153 = vector.broadcast %add3A_152 : i32 to vector<256x1xi32>
    %add3A_154 = arith.addi %iota3A_151, %add3A_153 : vector<256x1xi32>
    %le3A_155 = vector.broadcast %slice3A_108 : vector<1x2048xi32> to vector<256x2048xi32>
    %le3A_156 = vector.broadcast %add3A_154 : vector<256x1xi32> to vector<256x2048xi32>
    %le3A_157 = arith.cmpi sle, %le3A_155, %le3A_156 : vector<256x2048xi32>
    %convert_element_type3A_158 = arith.extui %le3A_157 : vector<256x2048xi1> to vector<256x2048xi32>
    %reduce_sum3A_159 = arith.constant dense<0> : vector<256xi32>
    %reduce_sum3A_160 = vector.multi_reduction <add>, %convert_element_type3A_158, %reduce_sum3A_159 [1] : vector<256x2048xi32> to vector<256xi32>
    %broadcast_in_dim3A_161 = vector.shape_cast %reduce_sum3A_160 : vector<256xi32> to vector<256x1xi32>
    %iota3A_162 = tpu.iota {dimensions = array<i32: 0>} : vector<256x1xi32>
    %add3A_163 = arith.constant 1280 : i32
    %add3A_164 = vector.broadcast %add3A_163 : i32 to vector<256x1xi32>
    %add3A_165 = arith.addi %iota3A_162, %add3A_164 : vector<256x1xi32>
    %le3A_166 = vector.broadcast %slice3A_108 : vector<1x2048xi32> to vector<256x2048xi32>
    %le3A_167 = vector.broadcast %add3A_165 : vector<256x1xi32> to vector<256x2048xi32>
    %le3A_168 = arith.cmpi sle, %le3A_166, %le3A_167 : vector<256x2048xi32>
    %convert_element_type3A_169 = arith.extui %le3A_168 : vector<256x2048xi1> to vector<256x2048xi32>
    %reduce_sum3A_170 = arith.constant dense<0> : vector<256xi32>
    %reduce_sum3A_171 = vector.multi_reduction <add>, %convert_element_type3A_169, %reduce_sum3A_170 [1] : vector<256x2048xi32> to vector<256xi32>
    %broadcast_in_dim3A_172 = vector.shape_cast %reduce_sum3A_171 : vector<256xi32> to vector<256x1xi32>
    %iota3A_173 = tpu.iota {dimensions = array<i32: 0>} : vector<256x1xi32>
    %add3A_174 = arith.constant 1536 : i32
    %add3A_175 = vector.broadcast %add3A_174 : i32 to vector<256x1xi32>
    %add3A_176 = arith.addi %iota3A_173, %add3A_175 : vector<256x1xi32>
    %le3A_177 = vector.broadcast %slice3A_108 : vector<1x2048xi32> to vector<256x2048xi32>
    %le3A_178 = vector.broadcast %add3A_176 : vector<256x1xi32> to vector<256x2048xi32>
    %le3A_179 = arith.cmpi sle, %le3A_177, %le3A_178 : vector<256x2048xi32>
    %convert_element_type3A_180 = arith.extui %le3A_179 : vector<256x2048xi1> to vector<256x2048xi32>
    %reduce_sum3A_181 = arith.constant dense<0> : vector<256xi32>
    %reduce_sum3A_182 = vector.multi_reduction <add>, %convert_element_type3A_180, %reduce_sum3A_181 [1] : vector<256x2048xi32> to vector<256xi32>
    %broadcast_in_dim3A_183 = vector.shape_cast %reduce_sum3A_182 : vector<256xi32> to vector<256x1xi32>
    %iota3A_184 = tpu.iota {dimensions = array<i32: 0>} : vector<256x1xi32>
    %add3A_185 = arith.constant 1792 : i32
    %add3A_186 = vector.broadcast %add3A_185 : i32 to vector<256x1xi32>
    %add3A_187 = arith.addi %iota3A_184, %add3A_186 : vector<256x1xi32>
    %le3A_188 = vector.broadcast %slice3A_108 : vector<1x2048xi32> to vector<256x2048xi32>
    %le3A_189 = vector.broadcast %add3A_187 : vector<256x1xi32> to vector<256x2048xi32>
    %le3A_190 = arith.cmpi sle, %le3A_188, %le3A_189 : vector<256x2048xi32>
    %convert_element_type3A_191 = arith.extui %le3A_190 : vector<256x2048xi1> to vector<256x2048xi32>
    %reduce_sum3A_192 = arith.constant dense<0> : vector<256xi32>
    %reduce_sum3A_193 = vector.multi_reduction <add>, %convert_element_type3A_191, %reduce_sum3A_192 [1] : vector<256x2048xi32> to vector<256xi32>
    %broadcast_in_dim3A_194 = vector.shape_cast %reduce_sum3A_193 : vector<256xi32> to vector<256x1xi32>
    %concatenate3A_195 = tpu.concatenate %broadcast_in_dim3A_117, %broadcast_in_dim3A_128, %broadcast_in_dim3A_139, %broadcast_in_dim3A_150, %broadcast_in_dim3A_161, %broadcast_in_dim3A_172, %broadcast_in_dim3A_183, %broadcast_in_dim3A_194 in 0 : vector<256x1xi32>, vector<256x1xi32>, vector<256x1xi32>, vector<256x1xi32>, vector<256x1xi32>, vector<256x1xi32>, vector<256x1xi32>, vector<256x1xi32> -> vector<2048x1xi32>
    %add3A_196 = arith.constant -1 : i32
    %add3A_197 = vector.broadcast %add3A_196 : i32 to vector<2048x1xi32>
    %add3A_198 = arith.addi %add3A_197, %concatenate3A_195 : vector<2048x1xi32>
    %swap3A_199 = arith.constant 0 : index
    %swap3A_200 = arith.constant 0 : index
    %swap3A_201 = arith.constant 0 : index
    %swap3A_202 = vector.load %arg3[%swap3A_199, %swap3A_200, %swap3A_201] : memref<4x2048x1xi32, #tpu.memory_space<vmem>>, vector<1x2048x1xi32>
    %swap3A_203 = vector.shape_cast %swap3A_202 : vector<1x2048x1xi32> to vector<2048x1xi32>
    %swap3A_204 = vector.shape_cast %add3A_198 : vector<2048x1xi32> to vector<1x2048x1xi32>
    tpu.vector_store %arg3[%swap3A_199, %swap3A_200, %swap3A_201], %swap3A_204 {strides = array<i32>} : memref<4x2048x1xi32, #tpu.memory_space<vmem>>, vector<1x2048x1xi32>,
    %broadcast_in_dim3A_205 = arith.constant 0 : i32
    %broadcast_in_dim3A_206 = vector.broadcast %broadcast_in_dim3A_205 : i32 to vector<1x1xi32>
    %slice3A_207 = vector.extract_strided_slice %concatenate3A_195 {offsets = [0, 0], sizes = [2047, 1], strides = [1, 1]} : vector<2048x1xi32> to vector<2047x1xi32>
    %concatenate3A_208 = tpu.concatenate %broadcast_in_dim3A_206, %slice3A_207 in 0 : vector<1x1xi32>, vector<2047x1xi32> -> vector<2048x1xi32>
    %sub3A_209 = arith.subi %concatenate3A_195, %concatenate3A_208 : vector<2048x1xi32>
    %convert_element_type3A_210 = arith.sitofp %sub3A_209 : vector<2048x1xi32> to vector<2048x1xf32>
    %add3A_211 = arith.constant 9.99999971E-10 : f32
    %add3A_212 = vector.broadcast %add3A_211 : f32 to vector<2048x1xf32>
    %add3A_213 = arith.addf %convert_element_type3A_210, %add3A_212 : vector<2048x1xf32>
    %div3A_214 = arith.constant 1.000000e+00 : f32
    %div3A_215 = vector.broadcast %div3A_214 : f32 to vector<2048x1xf32>
    %div3A_216 = arith.divf %div3A_215, %add3A_213 : vector<2048x1xf32>
    %swap3A_217 = arith.constant 0 : index
    %swap3A_218 = arith.constant 0 : index
    %swap3A_219 = arith.constant 0 : index
    %swap3A_220 = vector.load %arg4[%swap3A_217, %swap3A_218, %swap3A_219] : memref<4x2048x1xf32, #tpu.memory_space<vmem>>, vector<1x2048x1xf32>
    %swap3A_221 = vector.shape_cast %swap3A_220 : vector<1x2048x1xf32> to vector<2048x1xf32>
    %swap3A_222 = vector.shape_cast %div3A_216 : vector<2048x1xf32> to vector<1x2048x1xf32>
    tpu.vector_store %arg4[%swap3A_217, %swap3A_218, %swap3A_219], %swap3A_222 {strides = array<i32>} : memref<4x2048x1xf32, #tpu.memory_space<vmem>>, vector<1x2048x1xf32>,
    %slice3A_223 = vector.extract_strided_slice %sub3A_107 {offsets = [1, 0], sizes = [1, 2048], strides = [1, 1]} : vector<4x2048xi32> to vector<1x2048xi32>
    %iota3A_224 = tpu.iota {dimensions = array<i32: 0>} : vector<256x1xi32>
    %add3A_225 = arith.constant 0 : i32
    %add3A_226 = vector.broadcast %add3A_225 : i32 to vector<256x1xi32>
    %add3A_227 = arith.addi %iota3A_224, %add3A_226 : vector<256x1xi32>
    %le3A_228 = vector.broadcast %slice3A_223 : vector<1x2048xi32> to vector<256x2048xi32>
    %le3A_229 = vector.broadcast %add3A_227 : vector<256x1xi32> to vector<256x2048xi32>
    %le3A_230 = arith.cmpi sle, %le3A_228, %le3A_229 : vector<256x2048xi32>
    %convert_element_type3A_231 = arith.extui %le3A_230 : vector<256x2048xi1> to vector<256x2048xi32>
    %reduce_sum3A_232 = arith.constant dense<0> : vector<256xi32>
    %reduce_sum3A_233 = vector.multi_reduction <add>, %convert_element_type3A_231, %reduce_sum3A_232 [1] : vector<256x2048xi32> to vector<256xi32>
    %broadcast_in_dim3A_234 = vector.shape_cast %reduce_sum3A_233 : vector<256xi32> to vector<256x1xi32>
    %iota3A_235 = tpu.iota {dimensions = array<i32: 0>} : vector<256x1xi32>
    %add3A_236 = arith.constant 256 : i32
    %add3A_237 = vector.broadcast %add3A_236 : i32 to vector<256x1xi32>
    %add3A_238 = arith.addi %iota3A_235, %add3A_237 : vector<256x1xi32>
    %le3A_239 = vector.broadcast %slice3A_223 : vector<1x2048xi32> to vector<256x2048xi32>
    %le3A_240 = vector.broadcast %add3A_238 : vector<256x1xi32> to vector<256x2048xi32>
    %le3A_241 = arith.cmpi sle, %le3A_239, %le3A_240 : vector<256x2048xi32>
    %convert_element_type3A_242 = arith.extui %le3A_241 : vector<256x2048xi1> to vector<256x2048xi32>
    %reduce_sum3A_243 = arith.constant dense<0> : vector<256xi32>
    %reduce_sum3A_244 = vector.multi_reduction <add>, %convert_element_type3A_242, %reduce_sum3A_243 [1] : vector<256x2048xi32> to vector<256xi32>
    %broadcast_in_dim3A_245 = vector.shape_cast %reduce_sum3A_244 : vector<256xi32> to vector<256x1xi32>
    %iota3A_246 = tpu.iota {dimensions = array<i32: 0>} : vector<256x1xi32>
    %add3A_247 = arith.constant 512 : i32
    %add3A_248 = vector.broadcast %add3A_247 : i32 to vector<256x1xi32>
    %add3A_249 = arith.addi %iota3A_246, %add3A_248 : vector<256x1xi32>
    %le3A_250 = vector.broadcast %slice3A_223 : vector<1x2048xi32> to vector<256x2048xi32>
    %le3A_251 = vector.broadcast %add3A_249 : vector<256x1xi32> to vector<256x2048xi32>
    %le3A_252 = arith.cmpi sle, %le3A_250, %le3A_251 : vector<256x2048xi32>
    %convert_element_type3A_253 = arith.extui %le3A_252 : vector<256x2048xi1> to vector<256x2048xi32>
    %reduce_sum3A_254 = arith.constant dense<0> : vector<256xi32>
    %reduce_sum3A_255 = vector.multi_reduction <add>, %convert_element_type3A_253, %reduce_sum3A_254 [1] : vector<256x2048xi32> to vector<256xi32>
    %broadcast_in_dim3A_256 = vector.shape_cast %reduce_sum3A_255 : vector<256xi32> to vector<256x1xi32>
    %iota3A_257 = tpu.iota {dimensions = array<i32: 0>} : vector<256x1xi32>
    %add3A_258 = arith.constant 768 : i32
    %add3A_259 = vector.broadcast %add3A_258 : i32 to vector<256x1xi32>
    %add3A_260 = arith.addi %iota3A_257, %add3A_259 : vector<256x1xi32>
    %le3A_261 = vector.broadcast %slice3A_223 : vector<1x2048xi32> to vector<256x2048xi32>
    %le3A_262 = vector.broadcast %add3A_260 : vector<256x1xi32> to vector<256x2048xi32>
    %le3A_263 = arith.cmpi sle, %le3A_261, %le3A_262 : vector<256x2048xi32>
    %convert_element_type3A_264 = arith.extui %le3A_263 : vector<256x2048xi1> to vector<256x2048xi32>
    %reduce_sum3A_265 = arith.constant dense<0> : vector<256xi32>
    %reduce_sum3A_266 = vector.multi_reduction <add>, %convert_element_type3A_264, %reduce_sum3A_265 [1] : vector<256x2048xi32> to vector<256xi32>
    %broadcast_in_dim3A_267 = vector.shape_cast %reduce_sum3A_266 : vector<256xi32> to vector<256x1xi32>
    %iota3A_268 = tpu.iota {dimensions = array<i32: 0>} : vector<256x1xi32>
    %add3A_269 = arith.constant 1024 : i32
    %add3A_270 = vector.broadcast %add3A_269 : i32 to vector<256x1xi32>
    %add3A_271 = arith.addi %iota3A_268, %add3A_270 : vector<256x1xi32>
    %le3A_272 = vector.broadcast %slice3A_223 : vector<1x2048xi32> to vector<256x2048xi32>
    %le3A_273 = vector.broadcast %add3A_271 : vector<256x1xi32> to vector<256x2048xi32>
    %le3A_274 = arith.cmpi sle, %le3A_272, %le3A_273 : vector<256x2048xi32>
    %convert_element_type3A_275 = arith.extui %le3A_274 : vector<256x2048xi1> to vector<256x2048xi32>
    %reduce_sum3A_276 = arith.constant dense<0> : vector<256xi32>
    %reduce_sum3A_277 = vector.multi_reduction <add>, %convert_element_type3A_275, %reduce_sum3A_276 [1] : vector<256x2048xi32> to vector<256xi32>
    %broadcast_in_dim3A_278 = vector.shape_cast %reduce_sum3A_277 : vector<256xi32> to vector<256x1xi32>
    %iota3A_279 = tpu.iota {dimensions = array<i32: 0>} : vector<256x1xi32>
    %add3A_280 = arith.constant 1280 : i32
    %add3A_281 = vector.broadcast %add3A_280 : i32 to vector<256x1xi32>
    %add3A_282 = arith.addi %iota3A_279, %add3A_281 : vector<256x1xi32>
    %le3A_283 = vector.broadcast %slice3A_223 : vector<1x2048xi32> to vector<256x2048xi32>
    %le3A_284 = vector.broadcast %add3A_282 : vector<256x1xi32> to vector<256x2048xi32>
    %le3A_285 = arith.cmpi sle, %le3A_283, %le3A_284 : vector<256x2048xi32>
    %convert_element_type3A_286 = arith.extui %le3A_285 : vector<256x2048xi1> to vector<256x2048xi32>
    %reduce_sum3A_287 = arith.constant dense<0> : vector<256xi32>
    %reduce_sum3A_288 = vector.multi_reduction <add>, %convert_element_type3A_286, %reduce_sum3A_287 [1] : vector<256x2048xi32> to vector<256xi32>
    %broadcast_in_dim3A_289 = vector.shape_cast %reduce_sum3A_288 : vector<256xi32> to vector<256x1xi32>
    %iota3A_290 = tpu.iota {dimensions = array<i32: 0>} : vector<256x1xi32>
    %add3A_291 = arith.constant 1536 : i32
    %add3A_292 = vector.broadcast %add3A_291 : i32 to vector<256x1xi32>
    %add3A_293 = arith.addi %iota3A_290, %add3A_292 : vector<256x1xi32>
    %le3A_294 = vector.broadcast %slice3A_223 : vector<1x2048xi32> to vector<256x2048xi32>
    %le3A_295 = vector.broadcast %add3A_293 : vector<256x1xi32> to vector<256x2048xi32>
    %le3A_296 = arith.cmpi sle, %le3A_294, %le3A_295 : vector<256x2048xi32>
    %convert_element_type3A_297 = arith.extui %le3A_296 : vector<256x2048xi1> to vector<256x2048xi32>
    %reduce_sum3A_298 = arith.constant dense<0> : vector<256xi32>
    %reduce_sum3A_299 = vector.multi_reduction <add>, %convert_element_type3A_297, %reduce_sum3A_298 [1] : vector<256x2048xi32> to vector<256xi32>
    %broadcast_in_dim3A_300 = vector.shape_cast %reduce_sum3A_299 : vector<256xi32> to vector<256x1xi32>
    %iota3A_301 = tpu.iota {dimensions = array<i32: 0>} : vector<256x1xi32>
    %add3A_302 = arith.constant 1792 : i32
    %add3A_303 = vector.broadcast %add3A_302 : i32 to vector<256x1xi32>
    %add3A_304 = arith.addi %iota3A_301, %add3A_303 : vector<256x1xi32>
    %le3A_305 = vector.broadcast %slice3A_223 : vector<1x2048xi32> to vector<256x2048xi32>
    %le3A_306 = vector.broadcast %add3A_304 : vector<256x1xi32> to vector<256x2048xi32>
    %le3A_307 = arith.cmpi sle, %le3A_305, %le3A_306 : vector<256x2048xi32>
    %convert_element_type3A_308 = arith.extui %le3A_307 : vector<256x2048xi1> to vector<256x2048xi32>
    %reduce_sum3A_309 = arith.constant dense<0> : vector<256xi32>
    %reduce_sum3A_310 = vector.multi_reduction <add>, %convert_element_type3A_308, %reduce_sum3A_309 [1] : vector<256x2048xi32> to vector<256xi32>
    %broadcast_in_dim3A_311 = vector.shape_cast %reduce_sum3A_310 : vector<256xi32> to vector<256x1xi32>
    %concatenate3A_312 = tpu.concatenate %broadcast_in_dim3A_234, %broadcast_in_dim3A_245, %broadcast_in_dim3A_256, %broadcast_in_dim3A_267, %broadcast_in_dim3A_278, %broadcast_in_dim3A_289, %broadcast_in_dim3A_300, %broadcast_in_dim3A_311 in 0 : vector<256x1xi32>, vector<256x1xi32>, vector<256x1xi32>, vector<256x1xi32>, vector<256x1xi32>, vector<256x1xi32>, vector<256x1xi32>, vector<256x1xi32> -> vector<2048x1xi32>
    %add3A_313 = arith.constant 2047 : i32
    %add3A_314 = vector.broadcast %add3A_313 : i32 to vector<2048x1xi32>
    %add3A_315 = arith.addi %add3A_314, %concatenate3A_312 : vector<2048x1xi32>
    %swap3A_316 = arith.constant 1 : index
    %swap3A_317 = arith.constant 0 : index
    %swap3A_318 = arith.constant 0 : index
    %swap3A_319 = vector.load %arg3[%swap3A_316, %swap3A_317, %swap3A_318] : memref<4x2048x1xi32, #tpu.memory_space<vmem>>, vector<1x2048x1xi32>
    %swap3A_320 = vector.shape_cast %swap3A_319 : vector<1x2048x1xi32> to vector<2048x1xi32>
    %swap3A_321 = vector.shape_cast %add3A_315 : vector<2048x1xi32> to vector<1x2048x1xi32>
    tpu.vector_store %arg3[%swap3A_316, %swap3A_317, %swap3A_318], %swap3A_321 {strides = array<i32>} : memref<4x2048x1xi32, #tpu.memory_space<vmem>>, vector<1x2048x1xi32>,
    %broadcast_in_dim3A_322 = arith.constant 0 : i32
    %broadcast_in_dim3A_323 = vector.broadcast %broadcast_in_dim3A_322 : i32 to vector<1x1xi32>
    %slice3A_324 = vector.extract_strided_slice %concatenate3A_312 {offsets = [0, 0], sizes = [2047, 1], strides = [1, 1]} : vector<2048x1xi32> to vector<2047x1xi32>
    %concatenate3A_325 = tpu.concatenate %broadcast_in_dim3A_323, %slice3A_324 in 0 : vector<1x1xi32>, vector<2047x1xi32> -> vector<2048x1xi32>
    %sub3A_326 = arith.subi %concatenate3A_312, %concatenate3A_325 : vector<2048x1xi32>
    %convert_element_type3A_327 = arith.sitofp %sub3A_326 : vector<2048x1xi32> to vector<2048x1xf32>
    %add3A_328 = arith.constant 9.99999971E-10 : f32
    %add3A_329 = vector.broadcast %add3A_328 : f32 to vector<2048x1xf32>
    %add3A_330 = arith.addf %convert_element_type3A_327, %add3A_329 : vector<2048x1xf32>
    %div3A_331 = arith.constant 1.000000e+00 : f32
    %div3A_332 = vector.broadcast %div3A_331 : f32 to vector<2048x1xf32>
    %div3A_333 = arith.divf %div3A_332, %add3A_330 : vector<2048x1xf32>
    %swap3A_334 = arith.constant 1 : index
    %swap3A_335 = arith.constant 0 : index
    %swap3A_336 = arith.constant 0 : index
    %swap3A_337 = vector.load %arg4[%swap3A_334, %swap3A_335, %swap3A_336] : memref<4x2048x1xf32, #tpu.memory_space<vmem>>, vector<1x2048x1xf32>
    %swap3A_338 = vector.shape_cast %swap3A_337 : vector<1x2048x1xf32> to vector<2048x1xf32>
    %swap3A_339 = vector.shape_cast %div3A_333 : vector<2048x1xf32> to vector<1x2048x1xf32>
    tpu.vector_store %arg4[%swap3A_334, %swap3A_335, %swap3A_336], %swap3A_339 {strides = array<i32>} : memref<4x2048x1xf32, #tpu.memory_space<vmem>>, vector<1x2048x1xf32>,
    %slice3A_340 = vector.extract_strided_slice %sub3A_107 {offsets = [2, 0], sizes = [1, 2048], strides = [1, 1]} : vector<4x2048xi32> to vector<1x2048xi32>
    %iota3A_341 = tpu.iota {dimensions = array<i32: 0>} : vector<256x1xi32>
    %add3A_342 = arith.constant 0 : i32
    %add3A_343 = vector.broadcast %add3A_342 : i32 to vector<256x1xi32>
    %add3A_344 = arith.addi %iota3A_341, %add3A_343 : vector<256x1xi32>
    %le3A_345 = vector.broadcast %slice3A_340 : vector<1x2048xi32> to vector<256x2048xi32>
    %le3A_346 = vector.broadcast %add3A_344 : vector<256x1xi32> to vector<256x2048xi32>
    %le3A_347 = arith.cmpi sle, %le3A_345, %le3A_346 : vector<256x2048xi32>
    %convert_element_type3A_348 = arith.extui %le3A_347 : vector<256x2048xi1> to vector<256x2048xi32>
    %reduce_sum3A_349 = arith.constant dense<0> : vector<256xi32>
    %reduce_sum3A_350 = vector.multi_reduction <add>, %convert_element_type3A_348, %reduce_sum3A_349 [1] : vector<256x2048xi32> to vector<256xi32>
    %broadcast_in_dim3A_351 = vector.shape_cast %reduce_sum3A_350 : vector<256xi32> to vector<256x1xi32>
    %iota3A_352 = tpu.iota {dimensions = array<i32: 0>} : vector<256x1xi32>
    %add3A_353 = arith.constant 256 : i32
    %add3A_354 = vector.broadcast %add3A_353 : i32 to vector<256x1xi32>
    %add3A_355 = arith.addi %iota3A_352, %add3A_354 : vector<256x1xi32>
    %le3A_356 = vector.broadcast %slice3A_340 : vector<1x2048xi32> to vector<256x2048xi32>
    %le3A_357 = vector.broadcast %add3A_355 : vector<256x1xi32> to vector<256x2048xi32>
    %le3A_358 = arith.cmpi sle, %le3A_356, %le3A_357 : vector<256x2048xi32>
    %convert_element_type3A_359 = arith.extui %le3A_358 : vector<256x2048xi1> to vector<256x2048xi32>
    %reduce_sum3A_360 = arith.constant dense<0> : vector<256xi32>
    %reduce_sum3A_361 = vector.multi_reduction <add>, %convert_element_type3A_359, %reduce_sum3A_360 [1] : vector<256x2048xi32> to vector<256xi32>
    %broadcast_in_dim3A_362 = vector.shape_cast %reduce_sum3A_361 : vector<256xi32> to vector<256x1xi32>
    %iota3A_363 = tpu.iota {dimensions = array<i32: 0>} : vector<256x1xi32>
    %add3A_364 = arith.constant 512 : i32
    %add3A_365 = vector.broadcast %add3A_364 : i32 to vector<256x1xi32>
    %add3A_366 = arith.addi %iota3A_363, %add3A_365 : vector<256x1xi32>
    %le3A_367 = vector.broadcast %slice3A_340 : vector<1x2048xi32> to vector<256x2048xi32>
    %le3A_368 = vector.broadcast %add3A_366 : vector<256x1xi32> to vector<256x2048xi32>
    %le3A_369 = arith.cmpi sle, %le3A_367, %le3A_368 : vector<256x2048xi32>
    %convert_element_type3A_370 = arith.extui %le3A_369 : vector<256x2048xi1> to vector<256x2048xi32>
    %reduce_sum3A_371 = arith.constant dense<0> : vector<256xi32>
    %reduce_sum3A_372 = vector.multi_reduction <add>, %convert_element_type3A_370, %reduce_sum3A_371 [1] : vector<256x2048xi32> to vector<256xi32>
    %broadcast_in_dim3A_373 = vector.shape_cast %reduce_sum3A_372 : vector<256xi32> to vector<256x1xi32>
    %iota3A_374 = tpu.iota {dimensions = array<i32: 0>} : vector<256x1xi32>
    %add3A_375 = arith.constant 768 : i32
    %add3A_376 = vector.broadcast %add3A_375 : i32 to vector<256x1xi32>
    %add3A_377 = arith.addi %iota3A_374, %add3A_376 : vector<256x1xi32>
    %le3A_378 = vector.broadcast %slice3A_340 : vector<1x2048xi32> to vector<256x2048xi32>
    %le3A_379 = vector.broadcast %add3A_377 : vector<256x1xi32> to vector<256x2048xi32>
    %le3A_380 = arith.cmpi sle, %le3A_378, %le3A_379 : vector<256x2048xi32>
    %convert_element_type3A_381 = arith.extui %le3A_380 : vector<256x2048xi1> to vector<256x2048xi32>
    %reduce_sum3A_382 = arith.constant dense<0> : vector<256xi32>
    %reduce_sum3A_383 = vector.multi_reduction <add>, %convert_element_type3A_381, %reduce_sum3A_382 [1] : vector<256x2048xi32> to vector<256xi32>
    %broadcast_in_dim3A_384 = vector.shape_cast %reduce_sum3A_383 : vector<256xi32> to vector<256x1xi32>
    %iota3A_385 = tpu.iota {dimensions = array<i32: 0>} : vector<256x1xi32>
    %add3A_386 = arith.constant 1024 : i32
    %add3A_387 = vector.broadcast %add3A_386 : i32 to vector<256x1xi32>
    %add3A_388 = arith.addi %iota3A_385, %add3A_387 : vector<256x1xi32>
    %le3A_389 = vector.broadcast %slice3A_340 : vector<1x2048xi32> to vector<256x2048xi32>
    %le3A_390 = vector.broadcast %add3A_388 : vector<256x1xi32> to vector<256x2048xi32>
    %le3A_391 = arith.cmpi sle, %le3A_389, %le3A_390 : vector<256x2048xi32>
    %convert_element_type3A_392 = arith.extui %le3A_391 : vector<256x2048xi1> to vector<256x2048xi32>
    %reduce_sum3A_393 = arith.constant dense<0> : vector<256xi32>
    %reduce_sum3A_394 = vector.multi_reduction <add>, %convert_element_type3A_392, %reduce_sum3A_393 [1] : vector<256x2048xi32> to vector<256xi32>
    %broadcast_in_dim3A_395 = vector.shape_cast %reduce_sum3A_394 : vector<256xi32> to vector<256x1xi32>
    %iota3A_396 = tpu.iota {dimensions = array<i32: 0>} : vector<256x1xi32>
    %add3A_397 = arith.constant 1280 : i32
    %add3A_398 = vector.broadcast %add3A_397 : i32 to vector<256x1xi32>
    %add3A_399 = arith.addi %iota3A_396, %add3A_398 : vector<256x1xi32>
    %le3A_400 = vector.broadcast %slice3A_340 : vector<1x2048xi32> to vector<256x2048xi32>
    %le3A_401 = vector.broadcast %add3A_399 : vector<256x1xi32> to vector<256x2048xi32>
    %le3A_402 = arith.cmpi sle, %le3A_400, %le3A_401 : vector<256x2048xi32>
    %convert_element_type3A_403 = arith.extui %le3A_402 : vector<256x2048xi1> to vector<256x2048xi32>
    %reduce_sum3A_404 = arith.constant dense<0> : vector<256xi32>
    %reduce_sum3A_405 = vector.multi_reduction <add>, %convert_element_type3A_403, %reduce_sum3A_404 [1] : vector<256x2048xi32> to vector<256xi32>
    %broadcast_in_dim3A_406 = vector.shape_cast %reduce_sum3A_405 : vector<256xi32> to vector<256x1xi32>
    %iota3A_407 = tpu.iota {dimensions = array<i32: 0>} : vector<256x1xi32>
    %add3A_408 = arith.constant 1536 : i32
    %add3A_409 = vector.broadcast %add3A_408 : i32 to vector<256x1xi32>
    %add3A_410 = arith.addi %iota3A_407, %add3A_409 : vector<256x1xi32>
    %le3A_411 = vector.broadcast %slice3A_340 : vector<1x2048xi32> to vector<256x2048xi32>
    %le3A_412 = vector.broadcast %add3A_410 : vector<256x1xi32> to vector<256x2048xi32>
    %le3A_413 = arith.cmpi sle, %le3A_411, %le3A_412 : vector<256x2048xi32>
    %convert_element_type3A_414 = arith.extui %le3A_413 : vector<256x2048xi1> to vector<256x2048xi32>
    %reduce_sum3A_415 = arith.constant dense<0> : vector<256xi32>
    %reduce_sum3A_416 = vector.multi_reduction <add>, %convert_element_type3A_414, %reduce_sum3A_415 [1] : vector<256x2048xi32> to vector<256xi32>
    %broadcast_in_dim3A_417 = vector.shape_cast %reduce_sum3A_416 : vector<256xi32> to vector<256x1xi32>
    %iota3A_418 = tpu.iota {dimensions = array<i32: 0>} : vector<256x1xi32>
    %add3A_419 = arith.constant 1792 : i32
    %add3A_420 = vector.broadcast %add3A_419 : i32 to vector<256x1xi32>
    %add3A_421 = arith.addi %iota3A_418, %add3A_420 : vector<256x1xi32>
    %le3A_422 = vector.broadcast %slice3A_340 : vector<1x2048xi32> to vector<256x2048xi32>
    %le3A_423 = vector.broadcast %add3A_421 : vector<256x1xi32> to vector<256x2048xi32>
    %le3A_424 = arith.cmpi sle, %le3A_422, %le3A_423 : vector<256x2048xi32>
    %convert_element_type3A_425 = arith.extui %le3A_424 : vector<256x2048xi1> to vector<256x2048xi32>
    %reduce_sum3A_426 = arith.constant dense<0> : vector<256xi32>
    %reduce_sum3A_427 = vector.multi_reduction <add>, %convert_element_type3A_425, %reduce_sum3A_426 [1] : vector<256x2048xi32> to vector<256xi32>
    %broadcast_in_dim3A_428 = vector.shape_cast %reduce_sum3A_427 : vector<256xi32> to vector<256x1xi32>
    %concatenate3A_429 = tpu.concatenate %broadcast_in_dim3A_351, %broadcast_in_dim3A_362, %broadcast_in_dim3A_373, %broadcast_in_dim3A_384, %broadcast_in_dim3A_395, %broadcast_in_dim3A_406, %broadcast_in_dim3A_417, %broadcast_in_dim3A_428 in 0 : vector<256x1xi32>, vector<256x1xi32>, vector<256x1xi32>, vector<256x1xi32>, vector<256x1xi32>, vector<256x1xi32>, vector<256x1xi32>, vector<256x1xi32> -> vector<2048x1xi32>
    %add3A_430 = arith.constant 4095 : i32
    %add3A_431 = vector.broadcast %add3A_430 : i32 to vector<2048x1xi32>
    %add3A_432 = arith.addi %add3A_431, %concatenate3A_429 : vector<2048x1xi32>
    %swap3A_433 = arith.constant 2 : index
    %swap3A_434 = arith.constant 0 : index
    %swap3A_435 = arith.constant 0 : index
    %swap3A_436 = vector.load %arg3[%swap3A_433, %swap3A_434, %swap3A_435] : memref<4x2048x1xi32, #tpu.memory_space<vmem>>, vector<1x2048x1xi32>
    %swap3A_437 = vector.shape_cast %swap3A_436 : vector<1x2048x1xi32> to vector<2048x1xi32>
    %swap3A_438 = vector.shape_cast %add3A_432 : vector<2048x1xi32> to vector<1x2048x1xi32>
    tpu.vector_store %arg3[%swap3A_433, %swap3A_434, %swap3A_435], %swap3A_438 {strides = array<i32>} : memref<4x2048x1xi32, #tpu.memory_space<vmem>>, vector<1x2048x1xi32>,
    %broadcast_in_dim3A_439 = arith.constant 0 : i32
    %broadcast_in_dim3A_440 = vector.broadcast %broadcast_in_dim3A_439 : i32 to vector<1x1xi32>
    %slice3A_441 = vector.extract_strided_slice %concatenate3A_429 {offsets = [0, 0], sizes = [2047, 1], strides = [1, 1]} : vector<2048x1xi32> to vector<2047x1xi32>
    %concatenate3A_442 = tpu.concatenate %broadcast_in_dim3A_440, %slice3A_441 in 0 : vector<1x1xi32>, vector<2047x1xi32> -> vector<2048x1xi32>
    %sub3A_443 = arith.subi %concatenate3A_429, %concatenate3A_442 : vector<2048x1xi32>
    %convert_element_type3A_444 = arith.sitofp %sub3A_443 : vector<2048x1xi32> to vector<2048x1xf32>
    %add3A_445 = arith.constant 9.99999971E-10 : f32
    %add3A_446 = vector.broadcast %add3A_445 : f32 to vector<2048x1xf32>
    %add3A_447 = arith.addf %convert_element_type3A_444, %add3A_446 : vector<2048x1xf32>
    %div3A_448 = arith.constant 1.000000e+00 : f32
    %div3A_449 = vector.broadcast %div3A_448 : f32 to vector<2048x1xf32>
    %div3A_450 = arith.divf %div3A_449, %add3A_447 : vector<2048x1xf32>
    %swap3A_451 = arith.constant 2 : index
    %swap3A_452 = arith.constant 0 : index
    %swap3A_453 = arith.constant 0 : index
    %swap3A_454 = vector.load %arg4[%swap3A_451, %swap3A_452, %swap3A_453] : memref<4x2048x1xf32, #tpu.memory_space<vmem>>, vector<1x2048x1xf32>
    %swap3A_455 = vector.shape_cast %swap3A_454 : vector<1x2048x1xf32> to vector<2048x1xf32>
    %swap3A_456 = vector.shape_cast %div3A_450 : vector<2048x1xf32> to vector<1x2048x1xf32>
    tpu.vector_store %arg4[%swap3A_451, %swap3A_452, %swap3A_453], %swap3A_456 {strides = array<i32>} : memref<4x2048x1xf32, #tpu.memory_space<vmem>>, vector<1x2048x1xf32>,
    %slice3A_457 = vector.extract_strided_slice %sub3A_107 {offsets = [3, 0], sizes = [1, 2048], strides = [1, 1]} : vector<4x2048xi32> to vector<1x2048xi32>
    %iota3A_458 = tpu.iota {dimensions = array<i32: 0>} : vector<256x1xi32>
    %add3A_459 = arith.constant 0 : i32
    %add3A_460 = vector.broadcast %add3A_459 : i32 to vector<256x1xi32>
    %add3A_461 = arith.addi %iota3A_458, %add3A_460 : vector<256x1xi32>
    %le3A_462 = vector.broadcast %slice3A_457 : vector<1x2048xi32> to vector<256x2048xi32>
    %le3A_463 = vector.broadcast %add3A_461 : vector<256x1xi32> to vector<256x2048xi32>
    %le3A_464 = arith.cmpi sle, %le3A_462, %le3A_463 : vector<256x2048xi32>
    %convert_element_type3A_465 = arith.extui %le3A_464 : vector<256x2048xi1> to vector<256x2048xi32>
    %reduce_sum3A_466 = arith.constant dense<0> : vector<256xi32>
    %reduce_sum3A_467 = vector.multi_reduction <add>, %convert_element_type3A_465, %reduce_sum3A_466 [1] : vector<256x2048xi32> to vector<256xi32>
    %broadcast_in_dim3A_468 = vector.shape_cast %reduce_sum3A_467 : vector<256xi32> to vector<256x1xi32>
    %iota3A_469 = tpu.iota {dimensions = array<i32: 0>} : vector<256x1xi32>
    %add3A_470 = arith.constant 256 : i32
    %add3A_471 = vector.broadcast %add3A_470 : i32 to vector<256x1xi32>
    %add3A_472 = arith.addi %iota3A_469, %add3A_471 : vector<256x1xi32>
    %le3A_473 = vector.broadcast %slice3A_457 : vector<1x2048xi32> to vector<256x2048xi32>
    %le3A_474 = vector.broadcast %add3A_472 : vector<256x1xi32> to vector<256x2048xi32>
    %le3A_475 = arith.cmpi sle, %le3A_473, %le3A_474 : vector<256x2048xi32>
    %convert_element_type3A_476 = arith.extui %le3A_475 : vector<256x2048xi1> to vector<256x2048xi32>
    %reduce_sum3A_477 = arith.constant dense<0> : vector<256xi32>
    %reduce_sum3A_478 = vector.multi_reduction <add>, %convert_element_type3A_476, %reduce_sum3A_477 [1] : vector<256x2048xi32> to vector<256xi32>
    %broadcast_in_dim3A_479 = vector.shape_cast %reduce_sum3A_478 : vector<256xi32> to vector<256x1xi32>
    %iota3A_480 = tpu.iota {dimensions = array<i32: 0>} : vector<256x1xi32>
    %add3A_481 = arith.constant 512 : i32
    %add3A_482 = vector.broadcast %add3A_481 : i32 to vector<256x1xi32>
    %add3A_483 = arith.addi %iota3A_480, %add3A_482 : vector<256x1xi32>
    %le3A_484 = vector.broadcast %slice3A_457 : vector<1x2048xi32> to vector<256x2048xi32>
    %le3A_485 = vector.broadcast %add3A_483 : vector<256x1xi32> to vector<256x2048xi32>
    %le3A_486 = arith.cmpi sle, %le3A_484, %le3A_485 : vector<256x2048xi32>
    %convert_element_type3A_487 = arith.extui %le3A_486 : vector<256x2048xi1> to vector<256x2048xi32>
    %reduce_sum3A_488 = arith.constant dense<0> : vector<256xi32>
    %reduce_sum3A_489 = vector.multi_reduction <add>, %convert_element_type3A_487, %reduce_sum3A_488 [1] : vector<256x2048xi32> to vector<256xi32>
    %broadcast_in_dim3A_490 = vector.shape_cast %reduce_sum3A_489 : vector<256xi32> to vector<256x1xi32>
    %iota3A_491 = tpu.iota {dimensions = array<i32: 0>} : vector<256x1xi32>
    %add3A_492 = arith.constant 768 : i32
    %add3A_493 = vector.broadcast %add3A_492 : i32 to vector<256x1xi32>
    %add3A_494 = arith.addi %iota3A_491, %add3A_493 : vector<256x1xi32>
    %le3A_495 = vector.broadcast %slice3A_457 : vector<1x2048xi32> to vector<256x2048xi32>
    %le3A_496 = vector.broadcast %add3A_494 : vector<256x1xi32> to vector<256x2048xi32>
    %le3A_497 = arith.cmpi sle, %le3A_495, %le3A_496 : vector<256x2048xi32>
    %convert_element_type3A_498 = arith.extui %le3A_497 : vector<256x2048xi1> to vector<256x2048xi32>
    %reduce_sum3A_499 = arith.constant dense<0> : vector<256xi32>
    %reduce_sum3A_500 = vector.multi_reduction <add>, %convert_element_type3A_498, %reduce_sum3A_499 [1] : vector<256x2048xi32> to vector<256xi32>
    %broadcast_in_dim3A_501 = vector.shape_cast %reduce_sum3A_500 : vector<256xi32> to vector<256x1xi32>
    %iota3A_502 = tpu.iota {dimensions = array<i32: 0>} : vector<256x1xi32>
    %add3A_503 = arith.constant 1024 : i32
    %add3A_504 = vector.broadcast %add3A_503 : i32 to vector<256x1xi32>
    %add3A_505 = arith.addi %iota3A_502, %add3A_504 : vector<256x1xi32>
    %le3A_506 = vector.broadcast %slice3A_457 : vector<1x2048xi32> to vector<256x2048xi32>
    %le3A_507 = vector.broadcast %add3A_505 : vector<256x1xi32> to vector<256x2048xi32>
    %le3A_508 = arith.cmpi sle, %le3A_506, %le3A_507 : vector<256x2048xi32>
    %convert_element_type3A_509 = arith.extui %le3A_508 : vector<256x2048xi1> to vector<256x2048xi32>
    %reduce_sum3A_510 = arith.constant dense<0> : vector<256xi32>
    %reduce_sum3A_511 = vector.multi_reduction <add>, %convert_element_type3A_509, %reduce_sum3A_510 [1] : vector<256x2048xi32> to vector<256xi32>
    %broadcast_in_dim3A_512 = vector.shape_cast %reduce_sum3A_511 : vector<256xi32> to vector<256x1xi32>
    %iota3A_513 = tpu.iota {dimensions = array<i32: 0>} : vector<256x1xi32>
    %add3A_514 = arith.constant 1280 : i32
    %add3A_515 = vector.broadcast %add3A_514 : i32 to vector<256x1xi32>
    %add3A_516 = arith.addi %iota3A_513, %add3A_515 : vector<256x1xi32>
    %le3A_517 = vector.broadcast %slice3A_457 : vector<1x2048xi32> to vector<256x2048xi32>
    %le3A_518 = vector.broadcast %add3A_516 : vector<256x1xi32> to vector<256x2048xi32>
    %le3A_519 = arith.cmpi sle, %le3A_517, %le3A_518 : vector<256x2048xi32>
    %convert_element_type3A_520 = arith.extui %le3A_519 : vector<256x2048xi1> to vector<256x2048xi32>
    %reduce_sum3A_521 = arith.constant dense<0> : vector<256xi32>
    %reduce_sum3A_522 = vector.multi_reduction <add>, %convert_element_type3A_520, %reduce_sum3A_521 [1] : vector<256x2048xi32> to vector<256xi32>
    %broadcast_in_dim3A_523 = vector.shape_cast %reduce_sum3A_522 : vector<256xi32> to vector<256x1xi32>
    %iota3A_524 = tpu.iota {dimensions = array<i32: 0>} : vector<256x1xi32>
    %add3A_525 = arith.constant 1536 : i32
    %add3A_526 = vector.broadcast %add3A_525 : i32 to vector<256x1xi32>
    %add3A_527 = arith.addi %iota3A_524, %add3A_526 : vector<256x1xi32>
    %le3A_528 = vector.broadcast %slice3A_457 : vector<1x2048xi32> to vector<256x2048xi32>
    %le3A_529 = vector.broadcast %add3A_527 : vector<256x1xi32> to vector<256x2048xi32>
    %le3A_530 = arith.cmpi sle, %le3A_528, %le3A_529 : vector<256x2048xi32>
    %convert_element_type3A_531 = arith.extui %le3A_530 : vector<256x2048xi1> to vector<256x2048xi32>
    %reduce_sum3A_532 = arith.constant dense<0> : vector<256xi32>
    %reduce_sum3A_533 = vector.multi_reduction <add>, %convert_element_type3A_531, %reduce_sum3A_532 [1] : vector<256x2048xi32> to vector<256xi32>
    %broadcast_in_dim3A_534 = vector.shape_cast %reduce_sum3A_533 : vector<256xi32> to vector<256x1xi32>
    %iota3A_535 = tpu.iota {dimensions = array<i32: 0>} : vector<256x1xi32>
    %add3A_536 = arith.constant 1792 : i32
    %add3A_537 = vector.broadcast %add3A_536 : i32 to vector<256x1xi32>
    %add3A_538 = arith.addi %iota3A_535, %add3A_537 : vector<256x1xi32>
    %le3A_539 = vector.broadcast %slice3A_457 : vector<1x2048xi32> to vector<256x2048xi32>
    %le3A_540 = vector.broadcast %add3A_538 : vector<256x1xi32> to vector<256x2048xi32>
    %le3A_541 = arith.cmpi sle, %le3A_539, %le3A_540 : vector<256x2048xi32>
    %convert_element_type3A_542 = arith.extui %le3A_541 : vector<256x2048xi1> to vector<256x2048xi32>
    %reduce_sum3A_543 = arith.constant dense<0> : vector<256xi32>
    %reduce_sum3A_544 = vector.multi_reduction <add>, %convert_element_type3A_542, %reduce_sum3A_543 [1] : vector<256x2048xi32> to vector<256xi32>
    %broadcast_in_dim3A_545 = vector.shape_cast %reduce_sum3A_544 : vector<256xi32> to vector<256x1xi32>
    %concatenate3A_546 = tpu.concatenate %broadcast_in_dim3A_468, %broadcast_in_dim3A_479, %broadcast_in_dim3A_490, %broadcast_in_dim3A_501, %broadcast_in_dim3A_512, %broadcast_in_dim3A_523, %broadcast_in_dim3A_534, %broadcast_in_dim3A_545 in 0 : vector<256x1xi32>, vector<256x1xi32>, vector<256x1xi32>, vector<256x1xi32>, vector<256x1xi32>, vector<256x1xi32>, vector<256x1xi32>, vector<256x1xi32> -> vector<2048x1xi32>
    %add3A_547 = arith.constant 6143 : i32
    %add3A_548 = vector.broadcast %add3A_547 : i32 to vector<2048x1xi32>
    %add3A_549 = arith.addi %add3A_548, %concatenate3A_546 : vector<2048x1xi32>
    %swap3A_550 = arith.constant 3 : index
    %swap3A_551 = arith.constant 0 : index
    %swap3A_552 = arith.constant 0 : index
    %swap3A_553 = vector.load %arg3[%swap3A_550, %swap3A_551, %swap3A_552] : memref<4x2048x1xi32, #tpu.memory_space<vmem>>, vector<1x2048x1xi32>
    %swap3A_554 = vector.shape_cast %swap3A_553 : vector<1x2048x1xi32> to vector<2048x1xi32>
    %swap3A_555 = vector.shape_cast %add3A_549 : vector<2048x1xi32> to vector<1x2048x1xi32>
    tpu.vector_store %arg3[%swap3A_550, %swap3A_551, %swap3A_552], %swap3A_555 {strides = array<i32>} : memref<4x2048x1xi32, #tpu.memory_space<vmem>>, vector<1x2048x1xi32>,
    %broadcast_in_dim3A_556 = arith.constant 0 : i32
    %broadcast_in_dim3A_557 = vector.broadcast %broadcast_in_dim3A_556 : i32 to vector<1x1xi32>
    %slice3A_558 = vector.extract_strided_slice %concatenate3A_546 {offsets = [0, 0], sizes = [2047, 1], strides = [1, 1]} : vector<2048x1xi32> to vector<2047x1xi32>
    %concatenate3A_559 = tpu.concatenate %broadcast_in_dim3A_557, %slice3A_558 in 0 : vector<1x1xi32>, vector<2047x1xi32> -> vector<2048x1xi32>
    %sub3A_560 = arith.subi %concatenate3A_546, %concatenate3A_559 : vector<2048x1xi32>
    %convert_element_type3A_561 = arith.sitofp %sub3A_560 : vector<2048x1xi32> to vector<2048x1xf32>
    %add3A_562 = arith.constant 9.99999971E-10 : f32
    %add3A_563 = vector.broadcast %add3A_562 : f32 to vector<2048x1xf32>
    %add3A_564 = arith.addf %convert_element_type3A_561, %add3A_563 : vector<2048x1xf32>
    %div3A_565 = arith.constant 1.000000e+00 : f32
    %div3A_566 = vector.broadcast %div3A_565 : f32 to vector<2048x1xf32>
    %div3A_567 = arith.divf %div3A_566, %add3A_564 : vector<2048x1xf32>
    %swap3A_568 = arith.constant 3 : index
    %swap3A_569 = arith.constant 0 : index
    %swap3A_570 = arith.constant 0 : index
    %swap3A_571 = vector.load %arg4[%swap3A_568, %swap3A_569, %swap3A_570] : memref<4x2048x1xf32, #tpu.memory_space<vmem>>, vector<1x2048x1xf32>
    %swap3A_572 = vector.shape_cast %swap3A_571 : vector<1x2048x1xf32> to vector<2048x1xf32>
    %swap3A_573 = vector.shape_cast %div3A_567 : vector<2048x1xf32> to vector<1x2048x1xf32>
    tpu.vector_store %arg4[%swap3A_568, %swap3A_569, %swap3A_570], %swap3A_573 {strides = array<i32>} : memref<4x2048x1xf32, #tpu.memory_space<vmem>>, vector<1x2048x1xf32>,
    return
  }
}

module attributes {stable_mosaic.version = 14 : i64} {
  func.func @_stage4_body(%arg0: i32, %arg1: i32, %arg2: memref<1x256x1024xf32, #tpu.memory_space<vmem>>, %arg3: memref<1x8x1024xf32, #tpu.memory_space<vmem>>, %arg4: memref<1x256x1xf32, #tpu.memory_space<vmem>>, %arg5: memref<1x256x1024xf32, #tpu.memory_space<vmem>>) attributes {dimension_semantics = [#tpu.dimension_semantics<arbitrary>, #tpu.dimension_semantics<arbitrary>], iteration_bounds = array<i64: 4, 8>, scalar_prefetch = 0 : i64, scratch_operands = 0 : i64, tpu.core_type = #tpu.core_type<tc>, window_params = [{transform_indices = @transform_0, window_bounds = array<i64: 1, 256, 1024>}, {transform_indices = @transform_1, window_bounds = array<i64: 1, 8, 1024>}, {transform_indices = @transform_2, window_bounds = array<i64: 1, 256, 1>}, {transform_indices = @transform_3, window_bounds = array<i64: 1, 256, 1024>}]} {
    %get3A = arith.constant 0 : index
    %get3A_0 = arith.constant 0 : index
    %get3A_1 = arith.constant 0 : index
    %get3A_2 = vector.load %arg2[%get3A, %get3A_0, %get3A_1] : memref<1x256x1024xf32, #tpu.memory_space<vmem>>, vector<1x256x1024xf32>
    %get3A_3 = vector.shape_cast %get3A_2 : vector<1x256x1024xf32> to vector<256x1024xf32>
    %get3A_4 = arith.constant 0 : index
    %get3A_5 = arith.constant 7 : index
    %get3A_6 = arith.constant 0 : index
    %get3A_7 = vector.load %arg3[%get3A_4, %get3A_5, %get3A_6] : memref<1x8x1024xf32, #tpu.memory_space<vmem>>, vector<1x1x1024xf32>
    %get3A_8 = vector.shape_cast %get3A_7 : vector<1x1x1024xf32> to vector<1x1024xf32>
    %eq3A = arith.constant 0 : i32
    %eq3A_9 = arith.cmpi eq, %arg1, %eq3A : i32
    %jit3A = arith.constant 0.000000e+00 : f32
    %broadcast_in_dim3A = vector.broadcast %jit3A : f32 to vector<1x1024xf32>
    %select_n3A = arith.select %eq3A_9, %broadcast_in_dim3A, %get3A_8 : vector<1x1024xf32>
    %slice3A = vector.extract_strided_slice %get3A_3 {offsets = [0, 0], sizes = [255, 1024], strides = [1, 1]} : vector<256x1024xf32> to vector<255x1024xf32>
    %concatenate3A = tpu.concatenate %select_n3A, %slice3A in 0 : vector<1x1024xf32>, vector<255x1024xf32> -> vector<256x1024xf32>
    %sub3A = arith.subf %get3A_3, %concatenate3A : vector<256x1024xf32>
    %get3A_10 = arith.constant 0 : index
    %get3A_11 = arith.constant 0 : index
    %get3A_12 = arith.constant 0 : index
    %get3A_13 = vector.load %arg4[%get3A_10, %get3A_11, %get3A_12] : memref<1x256x1xf32, #tpu.memory_space<vmem>>, vector<1x256x1xf32>
    %get3A_14 = vector.shape_cast %get3A_13 : vector<1x256x1xf32> to vector<256x1xf32>
    %mul3A = vector.broadcast %get3A_14 : vector<256x1xf32> to vector<256x1024xf32>
    %mul3A_15 = arith.mulf %sub3A, %mul3A : vector<256x1024xf32>
    %swap3A = arith.constant 0 : index
    %swap3A_16 = arith.constant 0 : index
    %swap3A_17 = arith.constant 0 : index
    %swap3A_18 = vector.load %arg5[%swap3A, %swap3A_16, %swap3A_17] : memref<1x256x1024xf32, #tpu.memory_space<vmem>>, vector<1x256x1024xf32>
    %swap3A_19 = vector.shape_cast %swap3A_18 : vector<1x256x1024xf32> to vector<256x1024xf32>
    %swap3A_20 = vector.shape_cast %mul3A_15 : vector<256x1024xf32> to vector<1x256x1024xf32>
    tpu.vector_store %arg5[%swap3A, %swap3A_16, %swap3A_17], %swap3A_20 {strides = array<i32>} : memref<1x256x1024xf32, #tpu.memory_space<vmem>>, vector<1x256x1024xf32>,
    return
  }
  func.func @transform_0(%arg0: i32, %arg1: i32) -> (i32, i32, i32) {
    %c0_i32 = arith.constant 0 : i32
    %c0_i32_0 = arith.constant 0 : i32
    return %arg0, %arg1, %c0_i32 : i32, i32, i32
  }
  func.func @transform_1(%arg0: i32, %arg1: i32) -> (i32, i32, i32) {
    %mul3A = arith.constant 32 : i32
    %mul3A_0 = arith.muli %arg1, %mul3A : i32
    %sub3A = arith.constant 1 : i32
    %sub3A_1 = arith.subi %mul3A_0, %sub3A : i32
    %max3A = arith.constant 0 : i32
    %max3A_2 = arith.maxsi %sub3A_1, %max3A : i32
    %c0_i32 = arith.constant 0 : i32
    %c0_i32_3 = arith.constant 0 : i32
    return %arg0, %max3A_2, %c0_i32 : i32, i32, i32
  }
  func.func @transform_2(%arg0: i32, %arg1: i32) -> (i32, i32, i32) {
    %c0_i32 = arith.constant 0 : i32
    %c0_i32_0 = arith.constant 0 : i32
    return %arg0, %arg1, %c0_i32 : i32, i32, i32
  }
  func.func @transform_3(%arg0: i32, %arg1: i32) -> (i32, i32, i32) {
    %c0_i32 = arith.constant 0 : i32
    %c0_i32_0 = arith.constant 0 : i32
    return %arg0, %arg1, %c0_i32 : i32, i32, i32
  }
}

</mosaic_0001>

<sc_bundles>
// kernel: kernel.6.cloned.1.call-start
scs
__scs_entry_jumppad:
0x0: {  	(pc) =	sbr.rel $0x88, $3  }
0x1: {  	(tag) =	ssettag $0x0;
	lr =	simm.s32 $0x1  }
0x2: {  	[smem:$0x3F9C] =	sst lr;
	_ =	strace $0xD0000000  }
0x3: {  	_ = 	snop  }
0x4: {  	_ = 	snop  }
0x5: {  	_ = 	snop  }
0x6: {  	_ = 	snop  }
0x7: {  	_ = 	snop  }
__scs_overlays_trampoline_lowered:
0x8: {  	[smem:$0x3FAB] =	sst s0  }
0x9: {  	[smem:$0x3FAC] =	sst s1  }
0xa: {  	[smem:$0x3FAD] =	sst s2  }
0xb: {  	[smem:$0x3FAE] =	sst s3  }
0xc: {  	[smem:$0x3FAF] =	sst s4  }
0xd: {  	[smem:$0x3FB0] =	sst s5  }
0xe: {  	[smem:$0x3FB1] =	sst s6  }
0xf: {  	[smem:$0x3FB2] =	sst s7  }
0x10: {  	[smem:$0x3FB3] =	sst s8  }
0x11: {  	[smem:$0x3FB4] =	sst s9;
	s0 =	simm.s32 @!p0 $0x0  }
0x12: {  	s1 =	sld [smem:$0x3F9A];
	s0 =	simm.s32 @p0 $0x1  }
0x13: {  	[smem:$0x3FB5] =	sst s0;
	s0 =	simm.s32 @!p1 $0x0  }
0x14: {  	s2 =	sld [smem:$0x3F99];
	s0 =	simm.s32 @p1 $0x1  }
0x15: {  	[smem:$0x3FB6] =	sst s0;
	s0 =	simm.s32 @!p2 $0x0  }
0x16: {  	s3 =	sld [smem:$0x3FDB];
	s0 =	simm.s32 @p2 $0x1  }
0x17: {  	s4 =	simm.s32 $0x1BF5;
	[smem:$0x3FB8] =	sst s0  }
0x18: {  	s0 =	sld [smem:$0x3F9B];
	_ =	swait.ge [sflag:s4], $0x0  }
0x19: {  	s7 =	sld [smem:$0x3F9C]  }
0x1a: {  	s8 =	sadd.s32 $0xFFFFE003, lr  }
0x1b: {  	s9 =	sadd.s32 $0xFFFFFEF7, lr;
	s5 =	simm.s32 $0xFFFFFFFF;
	p2 =	slt.u32 s8, $0xFFFFF086  }
0x1c: {  	p1 =	slt.u32 s9, $0xF7A;
	s5 =	simm.s32 @!p2 $0x0  }
0x1d: {  	s5 =	simm.s32 @p1 $0x1;
	p0 =	seq.s32 s7, s2  }
0x1e: {  	s7 =	smul.u32 @!p0 $0xF7A, s2;
	p2 =	seq.s32 @!p0 s5, $0x0  }
0x1f: {  	s9 =	smul.u32 $0xF7A, s1;
	s8 =	simm.s32 @!p0 $0x1BF5;
	p2 =	por !p2, p0  }
0x20: {  	[sflag:s8] =	ssyncset.s32 @!p0 $0xFFFFF086;
	s6 =	sadd.s32 @!p0 s3, s7;
	s7 =	simm.s32 @!p0 $0x108  }
0x21: {  	s3 =	sadd.s32 s3, s9;
	s6 =	sadd.s32 @!p0 $0x88, s6;
	s7 =	simm.s32 @p2 $0x1082  }
0x22: {  	[simem:s7], [sflag:s8] =	dma.local @!p0 [hbm:s6], $0xF7A  }
0x23: {  	s9 =	sor.u32 $0xD0000000, s2;
	s6 =	simm.s32 $0x108;
	_ =	swait.ge @!p0 [sflag:s8], $0x0  }
0x24: {  	s3 =	sadd.s32 $0x88, s3;
	s6 =	simm.s32 @!p1 $0x1082;
	[sflag:s4] =	ssyncset.s32 $0xFFFFF086  }
0x25: {  	[simem:s6], [sflag:s4] =	dma.local [hbm:s3], $0xF7A  }
0x26: {  	[smem:$0x3F9C] =	sst s1;
	(tag) =	ssettag s2;
	_ =	strace s9  }
0x27: {  	s1 =	sld [smem:$0x3FAC]  }
0x28: {  	s2 =	sld [smem:$0x3FAD]  }
0x29: {  	s4 =	sld [smem:$0x3FAF]  }
0x2a: {  	p0 =	seq.s32 s5, $0x0;
	s5 =	sld [smem:$0x3FB0]  }
0x2b: {  	s6 =	sld [smem:$0x3FB1]  }
0x2c: {  	s7 =	sld [smem:$0x3FB2]  }
0x2d: {  	s3 =	simm.s32 $0x108;
	s8 =	sld [smem:$0x3FB3]  }
0x2e: {  	s3 =	simm.s32 @!p0 $0x1082;
	s9 =	sld [smem:$0x3FB4]  }
0x2f: {  	lr =	sadd.s32 s0, s3;
	s0 =	sld [smem:$0x3FAB]  }
0x30: {  	s3 =	sld [smem:$0x3FAE]  }
0x31: {  	[smem:$0x3FB7] =	sst s10  }
0x32: {  	s10 =	sld [smem:$0x3FB5];
	_ =	sdelay $0x3  }
0x33: {  	p0 =	seq.s32 s10, $0x1;
	s10 =	sld [smem:$0x3FB7];
	_ =	sdelay $0x3  }
0x34: {  	[smem:$0x3FB7] =	sst s10  }
0x35: {  	s10 =	sld [smem:$0x3FB6];
	_ =	sdelay $0x3  }
0x36: {  	p1 =	seq.s32 s10, $0x1;
	s10 =	sld [smem:$0x3FB7];
	_ =	sdelay $0x3  }
0x37: {  	[smem:$0x3FB7] =	sst s10  }
0x38: {  	s10 =	sld [smem:$0x3FB8]  }
0x39: {  	_ = 	snop;
	(pc) =	sbr.ind lr, $3  }
0x3a: {  	_ = 	snop  }
0x3b: {  	_ = 	snop  }
0x3c: {  	p2 =	seq.s32 s10, $0x1;
	s10 =	sld [smem:$0x3FB7]  }
0x3d: {  	_ =	shalt  }
0x3e: {  	_ =	shalt  }
0x3f: {  	_ =	shalt  }
0x40: {  	_ =	shalt  }
0x41: {  	_ =	shalt  }
0x42: {  	_ =	shalt  }
0x43: {  	_ =	shalt  }
0x44: {  	_ =	shalt  }
0x45: {  	_ =	shalt  }
0x46: {  	_ =	shalt  }
0x47: {  	_ =	shalt  }
0x48: {  	_ =	shalt  }
0x49: {  	_ =	shalt  }
0x4a: {  	_ =	shalt  }
0x4b: {  	_ =	shalt  }
0x4c: {  	_ =	shalt  }
0x4d: {  	_ =	shalt  }
0x4e: {  	_ =	shalt  }
0x4f: {  	_ =	shalt  }
0x50: {  	_ =	shalt  }
0x51: {  	_ =	shalt  }
0x52: {  	_ =	shalt  }
0x53: {  	_ =	shalt  }
0x54: {  	_ =	shalt  }
0x55: {  	_ =	shalt  }
0x56: {  	_ =	shalt  }
0x57: {  	_ =	shalt  }
0x58: {  	_ =	shalt  }
0x59: {  	_ =	shalt  }
0x5a: {  	_ =	shalt  }
0x5b: {  	_ =	shalt  }
0x5c: {  	_ =	shalt  }
0x5d: {  	_ =	shalt  }
0x5e: {  	_ =	shalt  }
0x5f: {  	_ =	shalt  }
0x60: {  	_ =	shalt  }
0x61: {  	_ =	shalt  }
0x62: {  	_ =	shalt  }
0x63: {  	_ =	shalt  }
0x64: {  	_ =	shalt  }
0x65: {  	_ =	shalt  }
0x66: {  	_ =	shalt  }
0x67: {  	_ =	shalt  }
0x68: {  	_ =	shalt  }
0x69: {  	_ =	shalt  }
0x6a: {  	_ =	shalt  }
0x6b: {  	_ =	shalt  }
0x6c: {  	_ =	shalt  }
0x6d: {  	_ =	shalt  }
0x6e: {  	_ =	shalt  }
0x6f: {  	_ =	shalt  }
0x70: {  	_ =	shalt  }
0x71: {  	_ =	shalt  }
0x72: {  	_ =	shalt  }
0x73: {  	_ =	shalt  }
0x74: {  	_ =	shalt  }
0x75: {  	_ =	shalt  }
0x76: {  	_ =	shalt  }
0x77: {  	_ =	shalt  }
0x78: {  	_ =	shalt  }
0x79: {  	_ =	shalt  }
0x7a: {  	_ =	shalt  }
0x7b: {  	_ =	shalt  }
0x7c: {  	_ =	shalt  }
0x7d: {  	_ =	shalt  }
0x7e: {  	_ =	shalt  }
0x7f: {  	_ =	shalt  }
0x80: {  	_ =	shalt  }
0x81: {  	_ =	shalt  }
0x82: {  	_ =	shalt  }
0x83: {  	_ =	shalt  }
0x84: {  	_ =	shalt  }
0x85: {  	_ =	shalt  }
0x86: {  	_ =	shalt  }
0x87: {  	_ =	shalt  }
.Lfunc_end0:
.L_simem_size_0:
called_computation_lowered:
.L_overlay_start_0:
0x88: {  	s2 =	sld [smem:$0x3FD9]  }
0x89: {  	s3 =	sld [smem:$0x3FFE];
	_ =	sdelay $0x1  }
0x8a: {  	s1 =	srdreg.scid  }
0x8b: {  	s0 =	sand.u32 $0x1, s1  }
0x8c: {  	s14 =	sshll.u32 s0, $0xA;
	s2 =	sadd.s32 s3, s2  }
0x8d: {  	s2 =	sadd.s32 s2, s14  }
0x8e: {  	[smem:$0x3FC3] =	sst s2  }
0x8f: {  	_ = 	snop  }
0x90: {  	s2 =	sld [smem:$0x3FD0];
	_ =	sdelay $0x2  }
0x91: {  	s15 =	simm.s32 $0xA;
	s4 =	simm.s32 $0x10  }
0x92: {  	[smem:s4], [sflag:s15] =	dma.local [hbm:s2], $0x1  }
0x93: {  	_ =	swait.eq [sflag:s15], $0x1  }
0x94: {  	[sflag:s15] =	ssyncset.done $0x0  }
0x95: {  	[sflag:s15] =	ssyncadd.s32 $0xFFFFFFFF  }
0x96: {  	s16 =	sld [smem:$0x10];
	(tm) =	ssettm $0x1  }
0x97: {  	s17 =	sld [smem:$0x3FFB];
	_ =	sdelay $0x3  }
0x98: {  	_ =	strace s17  }
0x99: {  	s3 =	sld [smem:$0x3FFC];
	_ =	sdelay $0x3  }
0x9a: {  	_ =	strace s3  }
0x9b: {  	s3 =	sld [smem:$0x3FFD];
	_ =	sdelay $0x3  }
0x9c: {  	_ =	strace s3  }
0x9d: {  	_ =	strace $0x8FFFFFFF  }
0x9e: {  	s18 =	sld [smem:$0x3FDB];
	_ =	sdelay $0x1  }
0x9f: {  	s19 =	simm.s32 $_scs_section_size  }
0xa0: {  	s5 =	simm.s32 $_size__tile_overlayer_lowered;
	s6 =	simm.s32 $_tile_overlayer_lowered  }
0xa1: {  	s22 =	simm.s32 $0x1BFF;
	s21 =	sshll.u32 s6, $0x1;
	s3 =	sadd.s32 s19, s18  }
0xa2: {  	s7 =	simm.s32 $0x0;
	s20 =	sshll.u32 s5, $0x1;
	s5 =	sadd.s32 s21, s3  }
0xa3: {  	[timem:s7], [sflag:s22] =	dma.local [hbm:s5], s20  }
0xa4: {  	_ =	swait.ge [sflag:s22], s20  }
0xa5: {  	s4 =	ssub.s32 $0x0, s20;
	[sflag:s22] =	ssyncset.done $0x0  }
0xa6: {  	[sflag:s22] =	ssyncadd.s32 s4;
	_ =	sdelay $0x1  }
0xa7: {  	s23 =	simm.s32 $0x1B8B  }
0xa8: {  	_ =	swait.ge [sflag:s23], $0x1  }
0xa9: {  	[sflag:s23] =	ssyncset.done $0x0  }
0xaa: {  	s25 =	simm.s32 $0x1B8E;
	s24 =	sld [smem:$0x3FFE];
	[sflag:s23] =	ssyncadd.s32 $0xFFFFFFFF  }
0xab: {  	s26 =	simm.s32 $execute0_lowered;
	[smem:$0x3FD2] =	sst s25  }
0xac: {  	s5 =	sshll.u32 s26, $0x1;
	_ =	strace $0x80000046;
	[dreg:$0x1] =	wrdreg $0xFFFFFFFF  }
0xad: {  	s28 =	simm.s32 $_size_execute0_lowered;
	s3 =	sadd.s32 s3, s5;
	[dreg:$0x0] =	wrdreg $0x0  }
0xae: {  	s5 =	sshll.u32 s28, $0x1;
	[dreg:$0x2] =	wrdreg s3  }
0xaf: {  	[dreg:$0x3] =	wrdreg s5  }
0xb0: {  	[dreg:$0x4] =	wrdreg $0xC0  }
0xb1: {  	_ =	task [dreg:s7], $0x5FFFF  }
0xb2: {  	[dreg:$0x1] =	wrdreg $0xFFFFFFFF  }
0xb3: {  	[dreg:$0x0] =	wrdreg $0x60  }
0xb4: {  	[dreg:$0x2] =	wrdreg s16  }
0xb5: {  	[dreg:$0x3] =	wrdreg s24  }
0xb6: {  	[dreg:$0x4] =	wrdreg $0x9  }
0xb7: {  	_ =	task.clear_ibuf [dreg:s7], $0x5FFFF;
	_ =	strace $0x90000046  }
0xb8: {  	s29 =	simm.s32 $0x9;
	_ =	strace $0x80000048  }
0xb9: {  	_ =	swait.ge [sflag:s29], $0x1  }
0xba: {  	[sflag:s29] =	ssyncadd.s32 $0xFFFFFFFF  }
0xbb: {  	_ =	strace $0x90000048  }
0xbc: {  	_ =	sfence  }
0xbd: {  	s30 =	sld [smem:$0x0];
	_ =	sdelay $0x2  }
0xbe: {  	s31 =	sshll.u32 s1, $0xD;
	s1 =	sshrl.u32 s1, $0x2  }
0xbf: {  	s3 =	sand.u32 $0x4000, s31;
	s1 =	sadd.s32 s1, s30  }
0xc0: {  	s0 =	sor.u32 s3, s0;
	s1 =	sshll.u32 s1, $0x11  }
0xc1: {  	s0 =	sor.u32 s1, s0  }
0xc2: {  	s0 =	sadd.s32 $0x8F2B, s0  }
0xc3: {  	[sflag:s0] =	ssyncadd.remote.s32 $0x1  }
0xc4: {  	_ =	sfence.sel $0xFFFF  }
0xc5: {  	[dreg:$0x0] =	wrdreg $0xFFFFFFFF;
	(pc) =	sbr.abs _section_cstart, $3  }
0xc6: {  	[dreg:$0x1] =	wrdreg $0xFFFFFFFF  }
0xc7: {  	_ =	task.clear_ibuf [dreg:s7], $0x2FFFF;
	_ =	strace $0x9FFFFFFF  }
0xc8: {  	(tm) =	ssettm $0x7FFFFFFF  }
0xc9: {  	_ =	shalt  }
tec
execute0_lowered:
.L_overlay_start_1:
0x0: {  	(tag) =	ssettag $0x1  }
0x1: {  	s0 =	srdreg.scid;
	s1 =	stileid.u32  }
0x2: {  	s0 =	sand.u32 $0x1, s0;
	s1 =	sshll.u32 s1, $0x1  }
0x3: {  	s2 =	rddreg [dreg:$0x0];
	s1 =	sor.u32 s0, s1  }
0x4: {  	s4 =	rddreg [dreg:$0x1];
	s5 =	sshll.u32 s1, $0x8  }
0x5: {  	s3 =	simm.s32 $0x0;
	s1 =	sshll.u32 s1, $0xF;
	s5 =	sadd.s32 s5, s4  }
0x6: {  	[smem:$0x7FF] =	sst s3;
	s1 =	sadd.s32 s1, s4;
	s14 =	sadd.s32 $0x400, s5  }
0x7: {  	_ =	strace $0x80000047;
	s15 =	sadd.s32 $0x2400, s1;
	[dreg:$0x3] =	wrdreg s14  }
0x8: {  	s16 =	sadd.s32 $0x2C00, s1;
	[dreg:$0x4] =	wrdreg s15  }
0x9: {  	s17 =	sadd.s32 $0x3400, s1;
	[dreg:$0x5] =	wrdreg s16  }
0xa: {  	s18 =	sadd.s32 $0x3C00, s1;
	[dreg:$0x6] =	wrdreg s17  }
0xb: {  	s19 =	sadd.s32 $0x4400, s1;
	[dreg:$0x7] =	wrdreg s18  }
0xc: {  	s20 =	sadd.s32 $0x4C00, s1;
	[dreg:$0x8] =	wrdreg s19  }
0xd: {  	s21 =	sadd.s32 $0x5400, s1;
	[dreg:$0x9] =	wrdreg s20  }
0xe: {  	s22 =	sadd.s32 $0x5C00, s1;
	[dreg:$0xa] =	wrdreg s21  }
0xf: {  	s8 =	simm.s32 $0x1;
	s23 =	sadd.s32 $0x6400, s1;
	[dreg:$0xb] =	wrdreg s22  }
0x10: {  	s10 =	simm.s32 $0x8800;
	s24 =	sadd.s32 $0x6C00, s1;
	[dreg:$0xc] =	wrdreg s23  }
0x11: {  	s6 =	sadd.s32 $0x300, s2;
	s25 =	sadd.s32 $0x7400, s1;
	[dreg:$0xd] =	wrdreg s24  }
0x12: {  	s0 =	ssub.s32 $0x2, s0;
	s26 =	sadd.s32 $0x7C00, s1;
	[dreg:$0xe] =	wrdreg s25  }
0x13: {  	s29 =	sshrl.u32 s0, $0x1;
	s28 =	sadd.s32 $0x8400, s1;
	[dreg:$0xf] =	wrdreg s26  }
0x14: {  	s0 =	ssub.s32 s0, s29;
	s30 =	sadd.s32 $0x8C00, s1;
	[dreg:$0x10] =	wrdreg s28  }
0x15: {  	s4 =	sadd.s32 $0x100, s2;
	s31 =	sadd.s32 $0x9400, s1;
	[dreg:$0x11] =	wrdreg s30  }
0x16: {  	s1 =	sadd.s32 $0x9C00, s1;
	s5 =	sadd.s32 $0x200, s2;
	[dreg:$0x12] =	wrdreg s31  }
0x17: {  	v2 =	vlaneseq.u32;
	s7 =	smax.u32 s0, $0x1;
	[dreg:$0x13] =	wrdreg s1;
	s19 =	simm.s32 $0x2  }
0x18: {  	vm0 =	vmmov $0xffff;
	v1 =	vshrl.u32 v2, $0x3;
	s20 =	simm.s32 $0x5;
	s21 =	simm.s32 $0x3;
	s22 =	simm.s32 $0x6  }
0x19: {  	v0 =	vand.u32 $0x7, v2;
	v2 =	vor.u32 $0x8, v2;
	v1 =	vmul.u32 $0x8, v1;
	s23 =	simm.s32 $0x4;
	s24 =	simm.s32 $0x7;
	s26 =	simm.s32 $0x8  }
.LBB2_1:
0x1a: {  	s28 =	rddreg [dreg:$0x3];
	s12 =	simm.s32 $0x9  }
0x1b: {  	[tilespmem:s3], [sflag:$0x9] =	stream.linear.gather [hbm4b:s28+s3], $0x800, $0x38;
	[tilespmem:$0x10800] =	vst v63  }
0x1c: {  	_ =	swait.ge [sflag:s12], $0x800  }
0x1d: {  	[sflag:s12] =	ssyncset.done $0x0  }
0x1e: {  	[sflag:s12] =	ssyncadd.s32 $0xFFFFF800  }
0x1f: {  	v3 =	vld [tilespmem:$0x0];
	_ =	sdelay $0x4  }
0x20: {  	v4 =	vshll.u32 v3, $0x3  }
0x21: {  	v3 =	vand.u32 $0x7, v3;
	v4 =	vand.u32 $0xFFFFFFC0, v4  }
0x22: {  	v3 =	vor.u32 v3, v4  }
0x23: {  	v4 =	vperm.xlane v3, v0;
	_ =	sdelay $0x1  }
0x24: {  	v4 =	vadd.s32 v1, v4;
	_ =	sdelay $0x3  }
0x25: {  	s0 =	simm.s32 $0x800  }
0x26: {  	[tilespmem:s0], [sflag:$0x1] =	stream.indirect_vreg.gather [hbm4b:s2+s3], $0x80, v4, vm0, $0xb8;
	[tilespmem:$0x10800] =	vst v63  }
0x27: {  	s13 =	simm.s32 $0x1000;
	v3 =	vperm.xlane v3, v2  }
0x28: {  	[tilespmem:s13], [sflag:$0x1] =	stream.indirect_vreg.gather [hbm4b:s4+s3], $0x80, v4, vm0, $0xb8;
	[tilespmem:$0x10800] =	vst v63  }
0x29: {  	s14 =	simm.s32 $0x1800;
	v3 =	vadd.s32 v1, v3  }
0x2a: {  	[tilespmem:s14], [sflag:$0x1] =	stream.indirect_vreg.gather [hbm4b:s5+s3], $0x80, v4, vm0, $0xb8;
	[tilespmem:$0x10800] =	vst v63  }
0x2b: {  	s15 =	simm.s32 $0x2000  }
0x2c: {  	[tilespmem:s15], [sflag:$0x1] =	stream.indirect_vreg.gather [hbm4b:s6+s3], $0x80, v4, vm0, $0xb8;
	[tilespmem:$0x10800] =	vst v63  }
0x2d: {  	s16 =	simm.s32 $0x2800  }
0x2e: {  	[tilespmem:s16], [sflag:$0x1] =	stream.indirect_vreg.gather [hbm4b:s2+s3], $0x80, v3, vm0, $0xb8;
	[tilespmem:$0x10800] =	vst v63  }
0x2f: {  	s18 =	simm.s32 $0x3000  }
0x30: {  	[tilespmem:s18], [sflag:$0x1] =	stream.indirect_vreg.gather [hbm4b:s4+s3], $0x80, v3, vm0, $0xb8;
	[tilespmem:$0x10800] =	vst v63  }
0x31: {  	s25 =	simm.s32 $0x3800  }
0x32: {  	[tilespmem:s25], [sflag:$0x1] =	stream.indirect_vreg.gather [hbm4b:s5+s3], $0x80, v3, vm0, $0xb8;
	[tilespmem:$0x10800] =	vst v63  }
0x33: {  	s28 =	simm.s32 $0x4000  }
0x34: {  	[tilespmem:s28], [sflag:$0x1] =	stream.indirect_vreg.gather [hbm4b:s6+s3], $0x80, v3, vm0, $0xb8;
	[tilespmem:$0x10800] =	vst v63  }
0x35: {  	v3 =	vld [tilespmem:$0x80];
	_ =	sdelay $0x4  }
0x36: {  	v49 =	vshll.u32 v3, $0x3  }
0x37: {  	v3 =	vand.u32 $0x7, v3;
	v4 =	vand.u32 $0xFFFFFFC0, v49  }
0x38: {  	v3 =	vor.u32 v3, v4  }
0x39: {  	v4 =	vperm.xlane v3, v0;
	_ =	sdelay $0x1  }
0x3a: {  	v4 =	vadd.s32 v1, v4;
	_ =	sdelay $0x3  }
0x3b: {  	s12 =	simm.s32 $0x4800  }
0x3c: {  	[tilespmem:s12], [sflag:$0x2] =	stream.indirect_vreg.gather [hbm4b:s2+s3], $0x80, v4, vm0, $0xb8;
	[tilespmem:$0x10800] =	vst v63  }
0x3d: {  	s13 =	simm.s32 $0x5000;
	v3 =	vperm.xlane v3, v2  }
0x3e: {  	[tilespmem:s13], [sflag:$0x2] =	stream.indirect_vreg.gather [hbm4b:s4+s3], $0x80, v4, vm0, $0xb8;
	[tilespmem:$0x10800] =	vst v63  }
0x3f: {  	s15 =	simm.s32 $0x5800;
	v3 =	vadd.s32 v1, v3  }
0x40: {  	[tilespmem:s15], [sflag:$0x2] =	stream.indirect_vreg.gather [hbm4b:s5+s3], $0x80, v4, vm0, $0xb8;
	[tilespmem:$0x10800] =	vst v63  }
0x41: {  	s16 =	simm.s32 $0x6000  }
0x42: {  	[tilespmem:s16], [sflag:$0x2] =	stream.indirect_vreg.gather [hbm4b:s6+s3], $0x80, v4, vm0, $0xb8;
	[tilespmem:$0x10800] =	vst v63  }
0x43: {  	s28 =	simm.s32 $0x6800  }
0x44: {  	[tilespmem:s28], [sflag:$0x2] =	stream.indirect_vreg.gather [hbm4b:s2+s3], $0x80, v3, vm0, $0xb8;
	[tilespmem:$0x10800] =	vst v63  }
0x45: {  	s13 =	simm.s32 $0x7000  }
0x46: {  	[tilespmem:s13], [sflag:$0x2] =	stream.indirect_vreg.gather [hbm4b:s4+s3], $0x80, v3, vm0, $0xb8;
	[tilespmem:$0x10800] =	vst v63  }
0x47: {  	s15 =	simm.s32 $0x7800  }
0x48: {  	[tilespmem:s15], [sflag:$0x2] =	stream.indirect_vreg.gather [hbm4b:s5+s3], $0x80, v3, vm0, $0xb8;
	[tilespmem:$0x10800] =	vst v63  }
0x49: {  	s16 =	simm.s32 $0x8000  }
0x4a: {  	[tilespmem:s16], [sflag:$0x2] =	stream.indirect_vreg.gather [hbm4b:s6+s3], $0x80, v3, vm0, $0xb8;
	[tilespmem:$0x10800] =	vst v63  }
0x4b: {  	v3 =	vld [tilespmem:$0x100];
	_ =	sdelay $0x4  }
0x4c: {  	v50 =	vshll.u32 v3, $0x3  }
0x4d: {  	v3 =	vand.u32 $0x7, v3;
	v4 =	vand.u32 $0xFFFFFFC0, v50  }
0x4e: {  	v3 =	vor.u32 v3, v4  }
0x4f: {  	v4 =	vperm.xlane v3, v0;
	_ =	sdelay $0x1  }
0x50: {  	v4 =	vadd.s32 v1, v4;
	_ =	sdelay $0x4  }
0x51: {  	[tilespmem:s10], [sflag:$0x3] =	stream.indirect_vreg.gather [hbm4b:s2+s3], $0x80, v4, vm0, $0xb8;
	[tilespmem:$0x10800] =	vst v63  }
0x52: {  	s28 =	simm.s32 $0x9000;
	v3 =	vperm.xlane v3, v2  }
0x53: {  	[tilespmem:s28], [sflag:$0x3] =	stream.indirect_vreg.gather [hbm4b:s4+s3], $0x80, v4, vm0, $0xb8;
	[tilespmem:$0x10800] =	vst v63  }
0x54: {  	s13 =	simm.s32 $0x9800;
	v3 =	vadd.s32 v1, v3  }
0x55: {  	[tilespmem:s13], [sflag:$0x3] =	stream.indirect_vreg.gather [hbm4b:s5+s3], $0x80, v4, vm0, $0xb8;
	[tilespmem:$0x10800] =	vst v63  }
0x56: {  	s28 =	simm.s32 $0xA000  }
0x57: {  	[tilespmem:s28], [sflag:$0x3] =	stream.indirect_vreg.gather [hbm4b:s6+s3], $0x80, v4, vm0, $0xb8;
	[tilespmem:$0x10800] =	vst v63  }
0x58: {  	s13 =	simm.s32 $0xA800  }
0x59: {  	[tilespmem:s13], [sflag:$0x3] =	stream.indirect_vreg.gather [hbm4b:s2+s3], $0x80, v3, vm0, $0xb8;
	[tilespmem:$0x10800] =	vst v63  }
0x5a: {  	s28 =	simm.s32 $0xB000  }
0x5b: {  	[tilespmem:s28], [sflag:$0x3] =	stream.indirect_vreg.gather [hbm4b:s4+s3], $0x80, v3, vm0, $0xb8;
	[tilespmem:$0x10800] =	vst v63  }
0x5c: {  	s13 =	simm.s32 $0xB800  }
0x5d: {  	[tilespmem:s13], [sflag:$0x3] =	stream.indirect_vreg.gather [hbm4b:s5+s3], $0x80, v3, vm0, $0xb8;
	[tilespmem:$0x10800] =	vst v63  }
0x5e: {  	s28 =	simm.s32 $0xC000  }
0x5f: {  	[tilespmem:s28], [sflag:$0x3] =	stream.indirect_vreg.gather [hbm4b:s6+s3], $0x80, v3, vm0, $0xb8;
	[tilespmem:$0x10800] =	vst v63  }
0x60: {  	_ =	swait.ge [sflag:s8], $0x4000  }
0x61: {  	[sflag:s8] =	ssyncset.done $0x0  }
0x62: {  	[sflag:s8] =	ssyncadd.s32 $0xFFFFC000  }
0x63: {  	v3 =	vld [tilespmem:$0x180];
	_ =	sdelay $0x4  }
0x64: {  	v51 =	vshll.u32 v3, $0x3  }
0x65: {  	v3 =	vand.u32 $0x7, v3;
	v4 =	vand.u32 $0xFFFFFFC0, v51  }
0x66: {  	v3 =	vor.u32 v3, v4  }
0x67: {  	v4 =	vperm.xlane v3, v0;
	_ =	sdelay $0x1  }
0x68: {  	v4 =	vadd.s32 v1, v4;
	_ =	sdelay $0x3  }
0x69: {  	s0 =	simm.s32 $0xC800  }
0x6a: {  	[tilespmem:s0], [sflag:$0x4] =	stream.indirect_vreg.gather [hbm4b:s2+s3], $0x80, v4, vm0, $0xb8;
	[tilespmem:$0x10800] =	vst v63  }
0x6b: {  	s13 =	simm.s32 $0xD000;
	v3 =	vperm.xlane v3, v2  }
0x6c: {  	[tilespmem:s13], [sflag:$0x4] =	stream.indirect_vreg.gather [hbm4b:s4+s3], $0x80, v4, vm0, $0xb8;
	[tilespmem:$0x10800] =	vst v63  }
0x6d: {  	v3 =	vadd.s32 v1, v3;
	s13 =	simm.s32 $0xD800  }
0x6e: {  	[tilespmem:s13], [sflag:$0x4] =	stream.indirect_vreg.gather [hbm4b:s5+s3], $0x80, v4, vm0, $0xb8;
	[tilespmem:$0x10800] =	vst v63  }
0x6f: {  	s13 =	simm.s32 $0xE000  }
0x70: {  	[tilespmem:s13], [sflag:$0x4] =	stream.indirect_vreg.gather [hbm4b:s6+s3], $0x80, v4, vm0, $0xb8;
	[tilespmem:$0x10800] =	vst v63  }
0x71: {  	s13 =	simm.s32 $0xE800  }
0x72: {  	[tilespmem:s13], [sflag:$0x4] =	stream.indirect_vreg.gather [hbm4b:s2+s3], $0x80, v3, vm0, $0xb8;
	[tilespmem:$0x10800] =	vst v63  }
0x73: {  	s13 =	simm.s32 $0xF000  }
0x74: {  	[tilespmem:s13], [sflag:$0x4] =	stream.indirect_vreg.gather [hbm4b:s4+s3], $0x80, v3, vm0, $0xb8;
	[tilespmem:$0x10800] =	vst v63  }
0x75: {  	s13 =	simm.s32 $0xF800  }
0x76: {  	[tilespmem:s13], [sflag:$0x4] =	stream.indirect_vreg.gather [hbm4b:s5+s3], $0x80, v3, vm0, $0xb8;
	[tilespmem:$0x10800] =	vst v63  }
0x77: {  	s13 =	simm.s32 $0x10000  }
0x78: {  	[tilespmem:s13], [sflag:$0x4] =	stream.indirect_vreg.gather [hbm4b:s6+s3], $0x80, v3, vm0, $0xb8;
	[tilespmem:$0x10800] =	vst v63  }
0x79: {  	s17 =	simm.s32 $0x800;
	s28 =	rddreg [dreg:$0x4]  }
0x7a: {  	[hbm4b:s28+s3] =	stream.linear.scatter [tilespmem:s17], [sflag:$0x5], $0x4000, $0x38;
	[tilespmem:$0x10800] =	vst v63  }
0x7b: {  	_ =	swait.ge [sflag:s19], $0x4000  }
0x7c: {  	[sflag:s19] =	ssyncset.done $0x0  }
0x7d: {  	[sflag:s19] =	ssyncadd.s32 $0xFFFFC000  }
0x7e: {  	_ =	swait.ge [sflag:s20], $0x4000  }
0x7f: {  	[sflag:s20] =	ssyncset.done $0x0  }
0x80: {  	[sflag:s20] =	ssyncadd.s32 $0xFFFFC000  }
0x81: {  	v3 =	vld [tilespmem:$0x200];
	_ =	sdelay $0x4  }
0x82: {  	v52 =	vshll.u32 v3, $0x3  }
0x83: {  	v3 =	vand.u32 $0x7, v3;
	v4 =	vand.u32 $0xFFFFFFC0, v52  }
0x84: {  	v3 =	vor.u32 v3, v4  }
0x85: {  	v4 =	vperm.xlane v3, v0;
	_ =	sdelay $0x1  }
0x86: {  	v4 =	vadd.s32 v1, v4;
	_ =	sdelay $0x4  }
0x87: {  	[tilespmem:s17], [sflag:$0x1] =	stream.indirect_vreg.gather [hbm4b:s2+s3], $0x80, v4, vm0, $0xb8;
	[tilespmem:$0x10800] =	vst v63  }
0x88: {  	s1 =	simm.s32 $0x1000;
	v3 =	vperm.xlane v3, v2  }
0x89: {  	[tilespmem:s1], [sflag:$0x1] =	stream.indirect_vreg.gather [hbm4b:s4+s3], $0x80, v4, vm0, $0xb8;
	[tilespmem:$0x10800] =	vst v63  }
0x8a: {  	s29 =	simm.s32 $0x1800;
	v3 =	vadd.s32 v1, v3  }
0x8b: {  	[tilespmem:s29], [sflag:$0x1] =	stream.indirect_vreg.gather [hbm4b:s5+s3], $0x80, v4, vm0, $0xb8;
	[tilespmem:$0x10800] =	vst v63  }
0x8c: {  	s30 =	simm.s32 $0x2000  }
0x8d: {  	[tilespmem:s30], [sflag:$0x1] =	stream.indirect_vreg.gather [hbm4b:s6+s3], $0x80, v4, vm0, $0xb8;
	[tilespmem:$0x10800] =	vst v63  }
0x8e: {  	s11 =	simm.s32 $0x2800  }
0x8f: {  	[tilespmem:s11], [sflag:$0x1] =	stream.indirect_vreg.gather [hbm4b:s2+s3], $0x80, v3, vm0, $0xb8;
	[tilespmem:$0x10800] =	vst v63  }
0x90: {  	s31 =	simm.s32 $0x3000  }
0x91: {  	[tilespmem:s31], [sflag:$0x1] =	stream.indirect_vreg.gather [hbm4b:s4+s3], $0x80, v3, vm0, $0xb8;
	[tilespmem:$0x10800] =	vst v63  }
0x92: {  	s9 =	simm.s32 $0x3800  }
0x93: {  	[tilespmem:s9], [sflag:$0x1] =	stream.indirect_vreg.gather [hbm4b:s5+s3], $0x80, v3, vm0, $0xb8;
	[tilespmem:$0x10800] =	vst v63  }
0x94: {  	s14 =	simm.s32 $0x4000  }
0x95: {  	[tilespmem:s14], [sflag:$0x1] =	stream.indirect_vreg.gather [hbm4b:s6+s3], $0x80, v3, vm0, $0xb8;
	[tilespmem:$0x10800] =	vst v63  }
0x96: {  	s25 =	simm.s32 $0x4800;
	s13 =	rddreg [dreg:$0x5]  }
0x97: {  	[hbm4b:s13+s3] =	stream.linear.scatter [tilespmem:s25], [sflag:$0x6], $0x4000, $0x38;
	[tilespmem:$0x10800] =	vst v63  }
0x98: {  	_ =	swait.ge [sflag:s21], $0x4000  }
0x99: {  	[sflag:s21] =	ssyncset.done $0x0  }
0x9a: {  	[sflag:s21] =	ssyncadd.s32 $0xFFFFC000  }
0x9b: {  	_ =	swait.ge [sflag:s22], $0x4000  }
0x9c: {  	[sflag:s22] =	ssyncset.done $0x0  }
0x9d: {  	[sflag:s22] =	ssyncadd.s32 $0xFFFFC000  }
0x9e: {  	v3 =	vld [tilespmem:$0x280];
	_ =	sdelay $0x4  }
0x9f: {  	v53 =	vshll.u32 v3, $0x3  }
0xa0: {  	v3 =	vand.u32 $0x7, v3;
	v4 =	vand.u32 $0xFFFFFFC0, v53  }
0xa1: {  	v3 =	vor.u32 v3, v4  }
0xa2: {  	v4 =	vperm.xlane v3, v0;
	_ =	sdelay $0x1  }
0xa3: {  	v4 =	vadd.s32 v1, v4;
	_ =	sdelay $0x4  }
0xa4: {  	[tilespmem:s25], [sflag:$0x2] =	stream.indirect_vreg.gather [hbm4b:s2+s3], $0x80, v4, vm0, $0xb8;
	[tilespmem:$0x10800] =	vst v63  }
0xa5: {  	s12 =	simm.s32 $0x5000;
	v3 =	vperm.xlane v3, v2  }
0xa6: {  	[tilespmem:s12], [sflag:$0x2] =	stream.indirect_vreg.gather [hbm4b:s4+s3], $0x80, v4, vm0, $0xb8;
	[tilespmem:$0x10800] =	vst v63  }
0xa7: {  	s18 =	simm.s32 $0x5800;
	v3 =	vadd.s32 v1, v3  }
0xa8: {  	[tilespmem:s18], [sflag:$0x2] =	stream.indirect_vreg.gather [hbm4b:s5+s3], $0x80, v4, vm0, $0xb8;
	[tilespmem:$0x10800] =	vst v63  }
0xa9: {  	s12 =	simm.s32 $0x6000  }
0xaa: {  	[tilespmem:s12], [sflag:$0x2] =	stream.indirect_vreg.gather [hbm4b:s6+s3], $0x80, v4, vm0, $0xb8;
	[tilespmem:$0x10800] =	vst v63  }
0xab: {  	s14 =	simm.s32 $0x6800  }
0xac: {  	[tilespmem:s14], [sflag:$0x2] =	stream.indirect_vreg.gather [hbm4b:s2+s3], $0x80, v3, vm0, $0xb8;
	[tilespmem:$0x10800] =	vst v63  }
0xad: {  	s29 =	simm.s32 $0x7000  }
0xae: {  	[tilespmem:s29], [sflag:$0x2] =	stream.indirect_vreg.gather [hbm4b:s4+s3], $0x80, v3, vm0, $0xb8;
	[tilespmem:$0x10800] =	vst v63  }
0xaf: {  	s30 =	simm.s32 $0x7800  }
0xb0: {  	[tilespmem:s30], [sflag:$0x2] =	stream.indirect_vreg.gather [hbm4b:s5+s3], $0x80, v3, vm0, $0xb8;
	[tilespmem:$0x10800] =	vst v63  }
0xb1: {  	s15 =	simm.s32 $0x8000  }
0xb2: {  	[tilespmem:s15], [sflag:$0x2] =	stream.indirect_vreg.gather [hbm4b:s6+s3], $0x80, v3, vm0, $0xb8;
	[tilespmem:$0x10800] =	vst v63  }
0xb3: {  	s25 =	rddreg [dreg:$0x6]  }
0xb4: {  	[hbm4b:s25+s3] =	stream.linear.scatter [tilespmem:s10], [sflag:$0x7], $0x4000, $0x38;
	[tilespmem:$0x10800] =	vst v63  }
0xb5: {  	_ =	swait.ge [sflag:s23], $0x4000  }
0xb6: {  	[sflag:s23] =	ssyncset.done $0x0  }
0xb7: {  	[sflag:s23] =	ssyncadd.s32 $0xFFFFC000  }
0xb8: {  	_ =	swait.ge [sflag:s24], $0x4000  }
0xb9: {  	[sflag:s24] =	ssyncset.done $0x0  }
0xba: {  	[sflag:s24] =	ssyncadd.s32 $0xFFFFC000  }
0xbb: {  	v3 =	vld [tilespmem:$0x300];
	_ =	sdelay $0x4  }
0xbc: {  	v54 =	vshll.u32 v3, $0x3  }
0xbd: {  	v3 =	vand.u32 $0x7, v3;
	v4 =	vand.u32 $0xFFFFFFC0, v54  }
0xbe: {  	v3 =	vor.u32 v3, v4  }
0xbf: {  	v4 =	vperm.xlane v3, v0;
	_ =	sdelay $0x1  }
0xc0: {  	v4 =	vadd.s32 v1, v4;
	_ =	sdelay $0x4  }
0xc1: {  	[tilespmem:s10], [sflag:$0x3] =	stream.indirect_vreg.gather [hbm4b:s2+s3], $0x80, v4, vm0, $0xb8;
	[tilespmem:$0x10800] =	vst v63  }
0xc2: {  	s16 =	simm.s32 $0x9000;
	v3 =	vperm.xlane v3, v2  }
0xc3: {  	[tilespmem:s16], [sflag:$0x3] =	stream.indirect_vreg.gather [hbm4b:s4+s3], $0x80, v4, vm0, $0xb8;
	[tilespmem:$0x10800] =	vst v63  }
0xc4: {  	s28 =	simm.s32 $0x9800;
	v3 =	vadd.s32 v1, v3  }
0xc5: {  	[tilespmem:s28], [sflag:$0x3] =	stream.indirect_vreg.gather [hbm4b:s5+s3], $0x80, v4, vm0, $0xb8;
	[tilespmem:$0x10800] =	vst v63  }
0xc6: {  	s31 =	simm.s32 $0xA000  }
0xc7: {  	[tilespmem:s31], [sflag:$0x3] =	stream.indirect_vreg.gather [hbm4b:s6+s3], $0x80, v4, vm0, $0xb8;
	[tilespmem:$0x10800] =	vst v63  }
0xc8: {  	s18 =	simm.s32 $0xA800  }
0xc9: {  	[tilespmem:s18], [sflag:$0x3] =	stream.indirect_vreg.gather [hbm4b:s2+s3], $0x80, v3, vm0, $0xb8;
	[tilespmem:$0x10800] =	vst v63  }
0xca: {  	s15 =	simm.s32 $0xB000  }
0xcb: {  	[tilespmem:s15], [sflag:$0x3] =	stream.indirect_vreg.gather [hbm4b:s4+s3], $0x80, v3, vm0, $0xb8;
	[tilespmem:$0x10800] =	vst v63  }
0xcc: {  	s11 =	simm.s32 $0xB800  }
0xcd: {  	[tilespmem:s11], [sflag:$0x3] =	stream.indirect_vreg.gather [hbm4b:s5+s3], $0x80, v3, vm0, $0xb8;
	[tilespmem:$0x10800] =	vst v63  }
0xce: {  	s13 =	simm.s32 $0xC000  }
0xcf: {  	[tilespmem:s13], [sflag:$0x3] =	stream.indirect_vreg.gather [hbm4b:s6+s3], $0x80, v3, vm0, $0xb8;
	[tilespmem:$0x10800] =	vst v63  }
0xd0: {  	s9 =	rddreg [dreg:$0x7]  }
0xd1: {  	[hbm4b:s9+s3] =	stream.linear.scatter [tilespmem:s0], [sflag:$0x8], $0x4000, $0x38;
	[tilespmem:$0x10800] =	vst v63  }
0xd2: {  	_ =	swait.ge [sflag:s8], $0x4000  }
0xd3: {  	[sflag:s8] =	ssyncset.done $0x0  }
0xd4: {  	[sflag:s8] =	ssyncadd.s32 $0xFFFFC000  }
0xd5: {  	_ =	swait.ge [sflag:s26], $0x4000  }
0xd6: {  	[sflag:s26] =	ssyncset.done $0x0  }
0xd7: {  	[sflag:s26] =	ssyncadd.s32 $0xFFFFC000  }
0xd8: {  	v3 =	vld [tilespmem:$0x380];
	_ =	sdelay $0x4  }
0xd9: {  	v55 =	vshll.u32 v3, $0x3  }
0xda: {  	v3 =	vand.u32 $0x7, v3;
	v4 =	vand.u32 $0xFFFFFFC0, v55  }
0xdb: {  	v3 =	vor.u32 v3, v4  }
0xdc: {  	v4 =	vperm.xlane v3, v0;
	_ =	sdelay $0x1  }
0xdd: {  	v4 =	vadd.s32 v1, v4;
	_ =	sdelay $0x4  }
0xde: {  	[tilespmem:s0], [sflag:$0x4] =	stream.indirect_vreg.gather [hbm4b:s2+s3], $0x80, v4, vm0, $0xb8;
	[tilespmem:$0x10800] =	vst v63  }
0xdf: {  	s16 =	simm.s32 $0xD000;
	v3 =	vperm.xlane v3, v2  }
0xe0: {  	[tilespmem:s16], [sflag:$0x4] =	stream.indirect_vreg.gather [hbm4b:s4+s3], $0x80, v4, vm0, $0xb8;
	[tilespmem:$0x10800] =	vst v63  }
0xe1: {  	s13 =	simm.s32 $0xD800;
	v3 =	vadd.s32 v1, v3  }
0xe2: {  	[tilespmem:s13], [sflag:$0x4] =	stream.indirect_vreg.gather [hbm4b:s5+s3], $0x80, v4, vm0, $0xb8;
	[tilespmem:$0x10800] =	vst v63  }
0xe3: {  	s31 =	simm.s32 $0xE000  }
0xe4: {  	[tilespmem:s31], [sflag:$0x4] =	stream.indirect_vreg.gather [hbm4b:s6+s3], $0x80, v4, vm0, $0xb8;
	[tilespmem:$0x10800] =	vst v63  }
0xe5: {  	s1 =	simm.s32 $0xE800  }
0xe6: {  	[tilespmem:s1], [sflag:$0x4] =	stream.indirect_vreg.gather [hbm4b:s2+s3], $0x80, v3, vm0, $0xb8;
	[tilespmem:$0x10800] =	vst v63  }
0xe7: {  	s9 =	simm.s32 $0xF000  }
0xe8: {  	[tilespmem:s9], [sflag:$0x4] =	stream.indirect_vreg.gather [hbm4b:s4+s3], $0x80, v3, vm0, $0xb8;
	[tilespmem:$0x10800] =	vst v63  }
0xe9: {  	s16 =	simm.s32 $0xF800  }
0xea: {  	[tilespmem:s16], [sflag:$0x4] =	stream.indirect_vreg.gather [hbm4b:s5+s3], $0x80, v3, vm0, $0xb8;
	[tilespmem:$0x10800] =	vst v63  }
0xeb: {  	s25 =	simm.s32 $0x10000  }
0xec: {  	[tilespmem:s25], [sflag:$0x4] =	stream.indirect_vreg.gather [hbm4b:s6+s3], $0x80, v3, vm0, $0xb8;
	[tilespmem:$0x10800] =	vst v63  }
0xed: {  	s28 =	rddreg [dreg:$0x8]  }
0xee: {  	[hbm4b:s28+s3] =	stream.linear.scatter [tilespmem:s17], [sflag:$0x5], $0x4000, $0x38;
	[tilespmem:$0x10800] =	vst v63  }
0xef: {  	_ =	swait.ge [sflag:s19], $0x4000  }
0xf0: {  	[sflag:s19] =	ssyncset.done $0x0  }
0xf1: {  	[sflag:s19] =	ssyncadd.s32 $0xFFFFC000  }
0xf2: {  	_ =	swait.ge [sflag:s20], $0x4000  }
0xf3: {  	[sflag:s20] =	ssyncset.done $0x0  }
0xf4: {  	[sflag:s20] =	ssyncadd.s32 $0xFFFFC000  }
0xf5: {  	v3 =	vld [tilespmem:$0x400];
	_ =	sdelay $0x4  }
0xf6: {  	v56 =	vshll.u32 v3, $0x3  }
0xf7: {  	v3 =	vand.u32 $0x7, v3;
	v4 =	vand.u32 $0xFFFFFFC0, v56  }
0xf8: {  	v3 =	vor.u32 v3, v4  }
0xf9: {  	v4 =	vperm.xlane v3, v0;
	_ =	sdelay $0x1  }
0xfa: {  	v4 =	vadd.s32 v1, v4;
	_ =	sdelay $0x4  }
0xfb: {  	[tilespmem:s17], [sflag:$0x1] =	stream.indirect_vreg.gather [hbm4b:s2+s3], $0x80, v4, vm0, $0xb8;
	[tilespmem:$0x10800] =	vst v63  }
0xfc: {  	s25 =	simm.s32 $0x1000;
	v3 =	vperm.xlane v3, v2  }
0xfd: {  	[tilespmem:s25], [sflag:$0x1] =	stream.indirect_vreg.gather [hbm4b:s4+s3], $0x80, v4, vm0, $0xb8;
	[tilespmem:$0x10800] =	vst v63  }
0xfe: {  	s28 =	simm.s32 $0x1800;
	v3 =	vadd.s32 v1, v3  }
0xff: {  	[tilespmem:s28], [sflag:$0x1] =	stream.indirect_vreg.gather [hbm4b:s5+s3], $0x80, v4, vm0, $0xb8;
	[tilespmem:$0x10800] =	vst v63  }
0x100: {  	s25 =	simm.s32 $0x2000  }
0x101: {  	[tilespmem:s25], [sflag:$0x1] =	stream.indirect_vreg.gather [hbm4b:s6+s3], $0x80, v4, vm0, $0xb8;
	[tilespmem:$0x10800] =	vst v63  }
0x102: {  	s28 =	simm.s32 $0x2800  }
0x103: {  	[tilespmem:s28], [sflag:$0x1] =	stream.indirect_vreg.gather [hbm4b:s2+s3], $0x80, v3, vm0, $0xb8;
	[tilespmem:$0x10800] =	vst v63  }
0x104: {  	s25 =	simm.s32 $0x3000  }
0x105: {  	[tilespmem:s25], [sflag:$0x1] =	stream.indirect_vreg.gather [hbm4b:s4+s3], $0x80, v3, vm0, $0xb8;
	[tilespmem:$0x10800] =	vst v63  }
0x106: {  	s28 =	simm.s32 $0x3800  }
0x107: {  	[tilespmem:s28], [sflag:$0x1] =	stream.indirect_vreg.gather [hbm4b:s5+s3], $0x80, v3, vm0, $0xb8;
	[tilespmem:$0x10800] =	vst v63  }
0x108: {  	s25 =	simm.s32 $0x4000  }
0x109: {  	[tilespmem:s25], [sflag:$0x1] =	stream.indirect_vreg.gather [hbm4b:s6+s3], $0x80, v3, vm0, $0xb8;
	[tilespmem:$0x10800] =	vst v63  }
0x10a: {  	s28 =	rddreg [dreg:$0x9];
	s25 =	simm.s32 $0x4800  }
0x10b: {  	[hbm4b:s28+s3] =	stream.linear.scatter [tilespmem:s25], [sflag:$0x6], $0x4000, $0x38;
	[tilespmem:$0x10800] =	vst v63  }
0x10c: {  	_ =	swait.ge [sflag:s21], $0x4000  }
0x10d: {  	[sflag:s21] =	ssyncset.done $0x0  }
0x10e: {  	[sflag:s21] =	ssyncadd.s32 $0xFFFFC000  }
0x10f: {  	_ =	swait.ge [sflag:s22], $0x4000  }
0x110: {  	[sflag:s22] =	ssyncset.done $0x0  }
0x111: {  	[sflag:s22] =	ssyncadd.s32 $0xFFFFC000  }
0x112: {  	v3 =	vld [tilespmem:$0x480];
	_ =	sdelay $0x4  }
0x113: {  	v57 =	vshll.u32 v3, $0x3  }
0x114: {  	v3 =	vand.u32 $0x7, v3;
	v4 =	vand.u32 $0xFFFFFFC0, v57  }
0x115: {  	v3 =	vor.u32 v3, v4  }
0x116: {  	v4 =	vperm.xlane v3, v0;
	_ =	sdelay $0x1  }
0x117: {  	v4 =	vadd.s32 v1, v4;
	_ =	sdelay $0x4  }
0x118: {  	[tilespmem:s25], [sflag:$0x2] =	stream.indirect_vreg.gather [hbm4b:s2+s3], $0x80, v4, vm0, $0xb8;
	[tilespmem:$0x10800] =	vst v63  }
0x119: {  	v3 =	vperm.xlane v3, v2;
	s25 =	simm.s32 $0x5000  }
0x11a: {  	[tilespmem:s25], [sflag:$0x2] =	stream.indirect_vreg.gather [hbm4b:s4+s3], $0x80, v4, vm0, $0xb8;
	[tilespmem:$0x10800] =	vst v63  }
0x11b: {  	v3 =	vadd.s32 v1, v3;
	s25 =	simm.s32 $0x5800  }
0x11c: {  	[tilespmem:s25], [sflag:$0x2] =	stream.indirect_vreg.gather [hbm4b:s5+s3], $0x80, v4, vm0, $0xb8;
	[tilespmem:$0x10800] =	vst v63  }
0x11d: {  	_ = 	snop  }
0x11e: {  	[tilespmem:s12], [sflag:$0x2] =	stream.indirect_vreg.gather [hbm4b:s6+s3], $0x80, v4, vm0, $0xb8;
	[tilespmem:$0x10800] =	vst v63  }
0x11f: {  	_ = 	snop  }
0x120: {  	[tilespmem:s14], [sflag:$0x2] =	stream.indirect_vreg.gather [hbm4b:s2+s3], $0x80, v3, vm0, $0xb8;
	[tilespmem:$0x10800] =	vst v63  }
0x121: {  	_ = 	snop  }
0x122: {  	[tilespmem:s29], [sflag:$0x2] =	stream.indirect_vreg.gather [hbm4b:s4+s3], $0x80, v3, vm0, $0xb8;
	[tilespmem:$0x10800] =	vst v63  }
0x123: {  	_ = 	snop  }
0x124: {  	[tilespmem:s30], [sflag:$0x2] =	stream.indirect_vreg.gather [hbm4b:s5+s3], $0x80, v3, vm0, $0xb8;
	[tilespmem:$0x10800] =	vst v63  }
0x125: {  	s12 =	simm.s32 $0x8000  }
0x126: {  	[tilespmem:s12], [sflag:$0x2] =	stream.indirect_vreg.gather [hbm4b:s6+s3], $0x80, v3, vm0, $0xb8;
	[tilespmem:$0x10800] =	vst v63  }
0x127: {  	s28 =	rddreg [dreg:$0xa]  }
0x128: {  	[hbm4b:s28+s3] =	stream.linear.scatter [tilespmem:s10], [sflag:$0x7], $0x4000, $0x38;
	[tilespmem:$0x10800] =	vst v63  }
0x129: {  	_ =	swait.ge [sflag:s23], $0x4000  }
0x12a: {  	[sflag:s23] =	ssyncset.done $0x0  }
0x12b: {  	[sflag:s23] =	ssyncadd.s32 $0xFFFFC000  }
0x12c: {  	_ =	swait.ge [sflag:s24], $0x4000  }
0x12d: {  	[sflag:s24] =	ssyncset.done $0x0  }
0x12e: {  	[sflag:s24] =	ssyncadd.s32 $0xFFFFC000  }
0x12f: {  	v3 =	vld [tilespmem:$0x500];
	_ =	sdelay $0x4  }
0x130: {  	v58 =	vshll.u32 v3, $0x3  }
0x131: {  	v3 =	vand.u32 $0x7, v3;
	v4 =	vand.u32 $0xFFFFFFC0, v58  }
0x132: {  	v3 =	vor.u32 v3, v4  }
0x133: {  	v4 =	vperm.xlane v3, v0;
	_ =	sdelay $0x1  }
0x134: {  	v4 =	vadd.s32 v1, v4;
	_ =	sdelay $0x4  }
0x135: {  	[tilespmem:s10], [sflag:$0x3] =	stream.indirect_vreg.gather [hbm4b:s2+s3], $0x80, v4, vm0, $0xb8;
	[tilespmem:$0x10800] =	vst v63  }
0x136: {  	s12 =	simm.s32 $0x9000;
	v3 =	vperm.xlane v3, v2  }
0x137: {  	[tilespmem:s12], [sflag:$0x3] =	stream.indirect_vreg.gather [hbm4b:s4+s3], $0x80, v4, vm0, $0xb8;
	[tilespmem:$0x10800] =	vst v63  }
0x138: {  	v3 =	vadd.s32 v1, v3;
	s12 =	simm.s32 $0x9800  }
0x139: {  	[tilespmem:s12], [sflag:$0x3] =	stream.indirect_vreg.gather [hbm4b:s5+s3], $0x80, v4, vm0, $0xb8;
	[tilespmem:$0x10800] =	vst v63  }
0x13a: {  	s12 =	simm.s32 $0xA000  }
0x13b: {  	[tilespmem:s12], [sflag:$0x3] =	stream.indirect_vreg.gather [hbm4b:s6+s3], $0x80, v4, vm0, $0xb8;
	[tilespmem:$0x10800] =	vst v63  }
0x13c: {  	_ = 	snop  }
0x13d: {  	[tilespmem:s18], [sflag:$0x3] =	stream.indirect_vreg.gather [hbm4b:s2+s3], $0x80, v3, vm0, $0xb8;
	[tilespmem:$0x10800] =	vst v63  }
0x13e: {  	_ = 	snop  }
0x13f: {  	[tilespmem:s15], [sflag:$0x3] =	stream.indirect_vreg.gather [hbm4b:s4+s3], $0x80, v3, vm0, $0xb8;
	[tilespmem:$0x10800] =	vst v63  }
0x140: {  	_ = 	snop  }
0x141: {  	[tilespmem:s11], [sflag:$0x3] =	stream.indirect_vreg.gather [hbm4b:s5+s3], $0x80, v3, vm0, $0xb8;
	[tilespmem:$0x10800] =	vst v63  }
0x142: {  	s11 =	simm.s32 $0xC000  }
0x143: {  	[tilespmem:s11], [sflag:$0x3] =	stream.indirect_vreg.gather [hbm4b:s6+s3], $0x80, v3, vm0, $0xb8;
	[tilespmem:$0x10800] =	vst v63  }
0x144: {  	s28 =	rddreg [dreg:$0xb]  }
0x145: {  	[hbm4b:s28+s3] =	stream.linear.scatter [tilespmem:s0], [sflag:$0x8], $0x4000, $0x38;
	[tilespmem:$0x10800] =	vst v63  }
0x146: {  	_ =	swait.ge [sflag:s8], $0x4000  }
0x147: {  	[sflag:s8] =	ssyncset.done $0x0  }
0x148: {  	[sflag:s8] =	ssyncadd.s32 $0xFFFFC000  }
0x149: {  	_ =	swait.ge [sflag:s26], $0x4000  }
0x14a: {  	[sflag:s26] =	ssyncset.done $0x0  }
0x14b: {  	[sflag:s26] =	ssyncadd.s32 $0xFFFFC000  }
0x14c: {  	v3 =	vld [tilespmem:$0x580];
	_ =	sdelay $0x4  }
0x14d: {  	v59 =	vshll.u32 v3, $0x3  }
0x14e: {  	v3 =	vand.u32 $0x7, v3;
	v4 =	vand.u32 $0xFFFFFFC0, v59  }
0x14f: {  	v3 =	vor.u32 v3, v4  }
0x150: {  	v4 =	vperm.xlane v3, v0;
	_ =	sdelay $0x1  }
0x151: {  	v4 =	vadd.s32 v1, v4;
	_ =	sdelay $0x4  }
0x152: {  	[tilespmem:s0], [sflag:$0x4] =	stream.indirect_vreg.gather [hbm4b:s2+s3], $0x80, v4, vm0, $0xb8;
	[tilespmem:$0x10800] =	vst v63  }
0x153: {  	s11 =	simm.s32 $0xD000;
	v3 =	vperm.xlane v3, v2  }
0x154: {  	[tilespmem:s11], [sflag:$0x4] =	stream.indirect_vreg.gather [hbm4b:s4+s3], $0x80, v4, vm0, $0xb8;
	[tilespmem:$0x10800] =	vst v63  }
0x155: {  	v3 =	vadd.s32 v1, v3  }
0x156: {  	[tilespmem:s13], [sflag:$0x4] =	stream.indirect_vreg.gather [hbm4b:s5+s3], $0x80, v4, vm0, $0xb8;
	[tilespmem:$0x10800] =	vst v63  }
0x157: {  	_ = 	snop  }
0x158: {  	[tilespmem:s31], [sflag:$0x4] =	stream.indirect_vreg.gather [hbm4b:s6+s3], $0x80, v4, vm0, $0xb8;
	[tilespmem:$0x10800] =	vst v63  }
0x159: {  	_ = 	snop  }
0x15a: {  	[tilespmem:s1], [sflag:$0x4] =	stream.indirect_vreg.gather [hbm4b:s2+s3], $0x80, v3, vm0, $0xb8;
	[tilespmem:$0x10800] =	vst v63  }
0x15b: {  	_ = 	snop  }
0x15c: {  	[tilespmem:s9], [sflag:$0x4] =	stream.indirect_vreg.gather [hbm4b:s4+s3], $0x80, v3, vm0, $0xb8;
	[tilespmem:$0x10800] =	vst v63  }
0x15d: {  	_ = 	snop  }
0x15e: {  	[tilespmem:s16], [sflag:$0x4] =	stream.indirect_vreg.gather [hbm4b:s5+s3], $0x80, v3, vm0, $0xb8;
	[tilespmem:$0x10800] =	vst v63  }
0x15f: {  	s9 =	simm.s32 $0x10000  }
0x160: {  	[tilespmem:s9], [sflag:$0x4] =	stream.indirect_vreg.gather [hbm4b:s6+s3], $0x80, v3, vm0, $0xb8;
	[tilespmem:$0x10800] =	vst v63  }
0x161: {  	s28 =	rddreg [dreg:$0xc];
	s9 =	simm.s32 $0x800  }
0x162: {  	[hbm4b:s28+s3] =	stream.linear.scatter [tilespmem:s9], [sflag:$0x5], $0x4000, $0x38;
	[tilespmem:$0x10800] =	vst v63  }
0x163: {  	_ =	swait.ge [sflag:s19], $0x4000  }
0x164: {  	[sflag:s19] =	ssyncset.done $0x0  }
0x165: {  	[sflag:s19] =	ssyncadd.s32 $0xFFFFC000  }
0x166: {  	_ =	swait.ge [sflag:s20], $0x4000  }
0x167: {  	[sflag:s20] =	ssyncset.done $0x0  }
0x168: {  	[sflag:s20] =	ssyncadd.s32 $0xFFFFC000  }
0x169: {  	v3 =	vld [tilespmem:$0x600];
	_ =	sdelay $0x4  }
0x16a: {  	v60 =	vshll.u32 v3, $0x3  }
0x16b: {  	v3 =	vand.u32 $0x7, v3;
	v4 =	vand.u32 $0xFFFFFFC0, v60  }
0x16c: {  	v3 =	vor.u32 v3, v4  }
0x16d: {  	v4 =	vperm.xlane v3, v0;
	_ =	sdelay $0x1  }
0x16e: {  	v4 =	vadd.s32 v1, v4;
	_ =	sdelay $0x4  }
0x16f: {  	[tilespmem:s9], [sflag:$0x1] =	stream.indirect_vreg.gather [hbm4b:s2+s3], $0x80, v4, vm0, $0xb8;
	[tilespmem:$0x10800] =	vst v63  }
0x170: {  	s28 =	simm.s32 $0x1000;
	v3 =	vperm.xlane v3, v2  }
0x171: {  	[tilespmem:s28], [sflag:$0x1] =	stream.indirect_vreg.gather [hbm4b:s4+s3], $0x80, v4, vm0, $0xb8;
	[tilespmem:$0x10800] =	vst v63  }
0x172: {  	v3 =	vadd.s32 v1, v3;
	s28 =	simm.s32 $0x1800  }
0x173: {  	[tilespmem:s28], [sflag:$0x1] =	stream.indirect_vreg.gather [hbm4b:s5+s3], $0x80, v4, vm0, $0xb8;
	[tilespmem:$0x10800] =	vst v63  }
0x174: {  	s28 =	simm.s32 $0x2000  }
0x175: {  	[tilespmem:s28], [sflag:$0x1] =	stream.indirect_vreg.gather [hbm4b:s6+s3], $0x80, v4, vm0, $0xb8;
	[tilespmem:$0x10800] =	vst v63  }
0x176: {  	s28 =	simm.s32 $0x2800  }
0x177: {  	[tilespmem:s28], [sflag:$0x1] =	stream.indirect_vreg.gather [hbm4b:s2+s3], $0x80, v3, vm0, $0xb8;
	[tilespmem:$0x10800] =	vst v63  }
0x178: {  	s28 =	simm.s32 $0x3000  }
0x179: {  	[tilespmem:s28], [sflag:$0x1] =	stream.indirect_vreg.gather [hbm4b:s4+s3], $0x80, v3, vm0, $0xb8;
	[tilespmem:$0x10800] =	vst v63  }
0x17a: {  	s28 =	simm.s32 $0x3800  }
0x17b: {  	[tilespmem:s28], [sflag:$0x1] =	stream.indirect_vreg.gather [hbm4b:s5+s3], $0x80, v3, vm0, $0xb8;
	[tilespmem:$0x10800] =	vst v63  }
0x17c: {  	s9 =	simm.s32 $0x4000  }
0x17d: {  	[tilespmem:s9], [sflag:$0x1] =	stream.indirect_vreg.gather [hbm4b:s6+s3], $0x80, v3, vm0, $0xb8;
	[tilespmem:$0x10800] =	vst v63  }
0x17e: {  	s17 =	simm.s32 $0x4800;
	s28 =	rddreg [dreg:$0xd]  }
0x17f: {  	[hbm4b:s28+s3] =	stream.linear.scatter [tilespmem:s17], [sflag:$0x6], $0x4000, $0x38;
	[tilespmem:$0x10800] =	vst v63  }
0x180: {  	_ =	swait.ge [sflag:s21], $0x4000  }
0x181: {  	[sflag:s21] =	ssyncset.done $0x0  }
0x182: {  	[sflag:s21] =	ssyncadd.s32 $0xFFFFC000  }
0x183: {  	_ =	swait.ge [sflag:s22], $0x4000  }
0x184: {  	[sflag:s22] =	ssyncset.done $0x0  }
0x185: {  	[sflag:s22] =	ssyncadd.s32 $0xFFFFC000  }
0x186: {  	v3 =	vld [tilespmem:$0x680];
	_ =	sdelay $0x4  }
0x187: {  	v61 =	vshll.u32 v3, $0x3  }
0x188: {  	v3 =	vand.u32 $0x7, v3;
	v4 =	vand.u32 $0xFFFFFFC0, v61  }
0x189: {  	v3 =	vor.u32 v3, v4  }
0x18a: {  	v4 =	vperm.xlane v3, v0;
	_ =	sdelay $0x1  }
0x18b: {  	v4 =	vadd.s32 v1, v4;
	_ =	sdelay $0x4  }
0x18c: {  	[tilespmem:s17], [sflag:$0x2] =	stream.indirect_vreg.gather [hbm4b:s2+s3], $0x80, v4, vm0, $0xb8;
	[tilespmem:$0x10800] =	vst v63  }
0x18d: {  	s9 =	simm.s32 $0x5000;
	v3 =	vperm.xlane v3, v2  }
0x18e: {  	[tilespmem:s9], [sflag:$0x2] =	stream.indirect_vreg.gather [hbm4b:s4+s3], $0x80, v4, vm0, $0xb8;
	[tilespmem:$0x10800] =	vst v63  }
0x18f: {  	v3 =	vadd.s32 v1, v3;
	s9 =	simm.s32 $0x5800  }
0x190: {  	[tilespmem:s9], [sflag:$0x2] =	stream.indirect_vreg.gather [hbm4b:s5+s3], $0x80, v4, vm0, $0xb8;
	[tilespmem:$0x10800] =	vst v63  }
0x191: {  	s25 =	simm.s32 $0x6000  }
0x192: {  	[tilespmem:s25], [sflag:$0x2] =	stream.indirect_vreg.gather [hbm4b:s6+s3], $0x80, v4, vm0, $0xb8;
	[tilespmem:$0x10800] =	vst v63  }
0x193: {  	s14 =	simm.s32 $0x6800  }
0x194: {  	[tilespmem:s14], [sflag:$0x2] =	stream.indirect_vreg.gather [hbm4b:s2+s3], $0x80, v3, vm0, $0xb8;
	[tilespmem:$0x10800] =	vst v63  }
0x195: {  	s29 =	simm.s32 $0x7000  }
0x196: {  	[tilespmem:s29], [sflag:$0x2] =	stream.indirect_vreg.gather [hbm4b:s4+s3], $0x80, v3, vm0, $0xb8;
	[tilespmem:$0x10800] =	vst v63  }
0x197: {  	s30 =	simm.s32 $0x7800  }
0x198: {  	[tilespmem:s30], [sflag:$0x2] =	stream.indirect_vreg.gather [hbm4b:s5+s3], $0x80, v3, vm0, $0xb8;
	[tilespmem:$0x10800] =	vst v63  }
0x199: {  	s9 =	simm.s32 $0x8000  }
0x19a: {  	[tilespmem:s9], [sflag:$0x2] =	stream.indirect_vreg.gather [hbm4b:s6+s3], $0x80, v3, vm0, $0xb8;
	[tilespmem:$0x10800] =	vst v63  }
0x19b: {  	s30 =	rddreg [dreg:$0xe]  }
0x19c: {  	[hbm4b:s30+s3] =	stream.linear.scatter [tilespmem:s10], [sflag:$0x7], $0x4000, $0x38;
	[tilespmem:$0x10800] =	vst v63  }
0x19d: {  	_ =	swait.ge [sflag:s23], $0x4000  }
0x19e: {  	[sflag:s23] =	ssyncset.done $0x0  }
0x19f: {  	[sflag:s23] =	ssyncadd.s32 $0xFFFFC000  }
0x1a0: {  	_ =	swait.ge [sflag:s24], $0x4000  }
0x1a1: {  	[sflag:s24] =	ssyncset.done $0x0  }
0x1a2: {  	[sflag:s24] =	ssyncadd.s32 $0xFFFFC000  }
0x1a3: {  	v3 =	vld [tilespmem:$0x700];
	_ =	sdelay $0x4  }
0x1a4: {  	v62 =	vshll.u32 v3, $0x3  }
0x1a5: {  	v3 =	vand.u32 $0x7, v3;
	v4 =	vand.u32 $0xFFFFFFC0, v62  }
0x1a6: {  	v3 =	vor.u32 v3, v4  }
0x1a7: {  	v4 =	vperm.xlane v3, v0;
	_ =	sdelay $0x1  }
0x1a8: {  	v4 =	vadd.s32 v1, v4;
	_ =	sdelay $0x4  }
0x1a9: {  	[tilespmem:s10], [sflag:$0x3] =	stream.indirect_vreg.gather [hbm4b:s2+s3], $0x80, v4, vm0, $0xb8;
	[tilespmem:$0x10800] =	vst v63  }
0x1aa: {  	s25 =	simm.s32 $0x9000;
	v3 =	vperm.xlane v3, v2  }
0x1ab: {  	[tilespmem:s25], [sflag:$0x3] =	stream.indirect_vreg.gather [hbm4b:s4+s3], $0x80, v4, vm0, $0xb8;
	[tilespmem:$0x10800] =	vst v63  }
0x1ac: {  	s28 =	simm.s32 $0x9800;
	v3 =	vadd.s32 v1, v3  }
0x1ad: {  	[tilespmem:s28], [sflag:$0x3] =	stream.indirect_vreg.gather [hbm4b:s5+s3], $0x80, v4, vm0, $0xb8;
	[tilespmem:$0x10800] =	vst v63  }
0x1ae: {  	s29 =	simm.s32 $0xA000  }
0x1af: {  	[tilespmem:s29], [sflag:$0x3] =	stream.indirect_vreg.gather [hbm4b:s6+s3], $0x80, v4, vm0, $0xb8;
	[tilespmem:$0x10800] =	vst v63  }
0x1b0: {  	s18 =	simm.s32 $0xA800  }
0x1b1: {  	[tilespmem:s18], [sflag:$0x3] =	stream.indirect_vreg.gather [hbm4b:s2+s3], $0x80, v3, vm0, $0xb8;
	[tilespmem:$0x10800] =	vst v63  }
0x1b2: {  	s15 =	simm.s32 $0xB000  }
0x1b3: {  	[tilespmem:s15], [sflag:$0x3] =	stream.indirect_vreg.gather [hbm4b:s4+s3], $0x80, v3, vm0, $0xb8;
	[tilespmem:$0x10800] =	vst v63  }
0x1b4: {  	s12 =	simm.s32 $0xB800  }
0x1b5: {  	[tilespmem:s12], [sflag:$0x3] =	stream.indirect_vreg.gather [hbm4b:s5+s3], $0x80, v3, vm0, $0xb8;
	[tilespmem:$0x10800] =	vst v63  }
0x1b6: {  	s9 =	simm.s32 $0xC000  }
0x1b7: {  	[tilespmem:s9], [sflag:$0x3] =	stream.indirect_vreg.gather [hbm4b:s6+s3], $0x80, v3, vm0, $0xb8;
	[tilespmem:$0x10800] =	vst v63  }
0x1b8: {  	s30 =	rddreg [dreg:$0xf]  }
0x1b9: {  	[hbm4b:s30+s3] =	stream.linear.scatter [tilespmem:s0], [sflag:$0x8], $0x4000, $0x38;
	[tilespmem:$0x10800] =	vst v63  }
0x1ba: {  	_ =	swait.ge [sflag:s8], $0x4000  }
0x1bb: {  	[sflag:s8] =	ssyncset.done $0x0  }
0x1bc: {  	[sflag:s8] =	ssyncadd.s32 $0xFFFFC000  }
0x1bd: {  	_ =	swait.ge [sflag:s26], $0x4000  }
0x1be: {  	[sflag:s26] =	ssyncset.done $0x0  }
0x1bf: {  	[sflag:s26] =	ssyncadd.s32 $0xFFFFC000  }
0x1c0: {  	v3 =	vld [tilespmem:$0x780];
	_ =	sdelay $0x4  }
0x1c1: {  	v63 =	vshll.u32 v3, $0x3  }
0x1c2: {  	v3 =	vand.u32 $0x7, v3;
	v4 =	vand.u32 $0xFFFFFFC0, v63  }
0x1c3: {  	v3 =	vor.u32 v3, v4  }
0x1c4: {  	v4 =	vperm.xlane v3, v0;
	_ =	sdelay $0x1  }
0x1c5: {  	v4 =	vadd.s32 v1, v4;
	_ =	sdelay $0x4  }
0x1c6: {  	[tilespmem:s0], [sflag:$0x4] =	stream.indirect_vreg.gather [hbm4b:s2+s3], $0x80, v4, vm0, $0xb8;
	[tilespmem:$0x10800] =	vst v63  }
0x1c7: {  	s14 =	simm.s32 $0xD000;
	v3 =	vperm.xlane v3, v2  }
0x1c8: {  	[tilespmem:s14], [sflag:$0x4] =	stream.indirect_vreg.gather [hbm4b:s4+s3], $0x80, v4, vm0, $0xb8;
	[tilespmem:$0x10800] =	vst v63  }
0x1c9: {  	s13 =	simm.s32 $0xD800;
	v3 =	vadd.s32 v1, v3  }
0x1ca: {  	[tilespmem:s13], [sflag:$0x4] =	stream.indirect_vreg.gather [hbm4b:s5+s3], $0x80, v4, vm0, $0xb8;
	[tilespmem:$0x10800] =	vst v63  }
0x1cb: {  	s31 =	simm.s32 $0xE000  }
0x1cc: {  	[tilespmem:s31], [sflag:$0x4] =	stream.indirect_vreg.gather [hbm4b:s6+s3], $0x80, v4, vm0, $0xb8;
	[tilespmem:$0x10800] =	vst v63  }
0x1cd: {  	s11 =	simm.s32 $0xE800  }
0x1ce: {  	[tilespmem:s11], [sflag:$0x4] =	stream.indirect_vreg.gather [hbm4b:s2+s3], $0x80, v3, vm0, $0xb8;
	[tilespmem:$0x10800] =	vst v63  }
0x1cf: {  	s15 =	simm.s32 $0xF000  }
0x1d0: {  	[tilespmem:s15], [sflag:$0x4] =	stream.indirect_vreg.gather [hbm4b:s4+s3], $0x80, v3, vm0, $0xb8;
	[tilespmem:$0x10800] =	vst v63  }
0x1d1: {  	s16 =	simm.s32 $0xF800  }
0x1d2: {  	[tilespmem:s16], [sflag:$0x4] =	stream.indirect_vreg.gather [hbm4b:s5+s3], $0x80, v3, vm0, $0xb8;
	[tilespmem:$0x10800] =	vst v63  }
0x1d3: {  	s25 =	simm.s32 $0x10000  }
0x1d4: {  	[tilespmem:s25], [sflag:$0x4] =	stream.indirect_vreg.gather [hbm4b:s6+s3], $0x80, v3, vm0, $0xb8;
	[tilespmem:$0x10800] =	vst v63  }
0x1d5: {  	s1 =	simm.s32 $0x800;
	s18 =	rddreg [dreg:$0x10]  }
0x1d6: {  	[hbm4b:s18+s3] =	stream.linear.scatter [tilespmem:s1], [sflag:$0x5], $0x4000, $0x38;
	[tilespmem:$0x10800] =	vst v63  }
0x1d7: {  	_ =	swait.ge [sflag:s19], $0x4000  }
0x1d8: {  	[sflag:s19] =	ssyncset.done $0x0  }
0x1d9: {  	s29 =	rddreg [dreg:$0x11];
	[sflag:s19] =	ssyncadd.s32 $0xFFFFC000  }
0x1da: {  	[hbm4b:s29+s3] =	stream.linear.scatter [tilespmem:s17], [sflag:$0x6], $0x4000, $0x38;
	[tilespmem:$0x10800] =	vst v63  }
0x1db: {  	_ =	swait.ge [sflag:s21], $0x4000  }
0x1dc: {  	[sflag:s21] =	ssyncset.done $0x0  }
0x1dd: {  	s30 =	rddreg [dreg:$0x12];
	[sflag:s21] =	ssyncadd.s32 $0xFFFFC000  }
0x1de: {  	[hbm4b:s30+s3] =	stream.linear.scatter [tilespmem:s10], [sflag:$0x7], $0x4000, $0x38;
	[tilespmem:$0x10800] =	vst v63  }
0x1df: {  	_ =	swait.ge [sflag:s23], $0x4000  }
0x1e0: {  	[sflag:s23] =	ssyncset.done $0x0  }
0x1e1: {  	s31 =	rddreg [dreg:$0x13];
	[sflag:s23] =	ssyncadd.s32 $0xFFFFC000  }
0x1e2: {  	[hbm4b:s31+s3] =	stream.linear.scatter [tilespmem:s0], [sflag:$0x8], $0x4000, $0x38;
	[tilespmem:$0x10800] =	vst v63  }
0x1e3: {  	_ =	swait.ge [sflag:s20], $0x4000  }
0x1e4: {  	[sflag:s20] =	ssyncset.done $0x0  }
0x1e5: {  	[sflag:s20] =	ssyncadd.s32 $0xFFFFC000  }
0x1e6: {  	_ =	swait.ge [sflag:s22], $0x4000  }
0x1e7: {  	[sflag:s22] =	ssyncset.done $0x0  }
0x1e8: {  	[sflag:s22] =	ssyncadd.s32 $0xFFFFC000  }
0x1e9: {  	p0 =	sne.s32 s7, $0x1;
	_ =	swait.ge [sflag:s24], $0x4000  }
.Ltmp0:
0x1ea: {  	[sflag:s24] =	ssyncset.done $0x0;
	(pc) =	sbr.rel @p0 .LBB2_1-.Ltmp0, $4  }
0x1eb: {  	[sflag:s24] =	ssyncadd.s32 $0xFFFFC000  }
0x1ec: {  	_ =	swait.ge [sflag:s26], $0x4000  }
0x1ed: {  	[sflag:s26] =	ssyncset.done $0x0  }
0x1ee: {  	s7 =	sadd.s32 $0xFFFFFFFF, s7;
	[sflag:s26] =	ssyncadd.s32 $0xFFFFC000  }
0x1ef: {  	_ =	sfence.sel $0x180000  }
0x1f0: {  	[bflag:$0x0] =	sbarrier.arrive $0xFFFF  }
0x1f1: {  	_ =	strace $0x90000047  }
0x1f2: {  	s0 =	stileid.u32;
	[bflag:$0x2] =	sbarrier.arrive $0xFFFF  }
0x1f3: {  	p0 =	sne.s32 s0, $0x0;
	s0 =	rddreg [dreg:$0x2]  }
0x1f4: {  	s0 =	sadd.s32 @!p0 $0x100000, s0  }
0x1f5: {  	[sflag:s0] =	ssyncadd.tile.s32 @!p0 $0x1;
	_ =	shalt  }
.Lfunc_end2:
_tile_overlayer_lowered:
.L_overlay_start_2:
0x1f6: {  	(tag) =	ssettag $0x2  }
0x1f7: {  	s0 =	rddreg [dreg:$0x0];
	s2 =	stileid.u32  }
0x1f8: {  	s1 =	rddreg [dreg:$0x1];
	p0 =	sne.s32 s2, $0x0  }
0x1f9: {  	s3 =	rddreg [dreg:$0x2];
	[bflag:$0x3] =	sbarrier.arrive $0xFFFF;
	s2 =	simm.s32 @!p0 $0x1C09  }
0x1fa: {  	[timem:s3], [sflag:s2] =	dma.local @!p0 [hbm:s0], s1  }
0x1fb: {  	s0 =	simm.s32 @!p0 $0x9  }
0x1fc: {  	_ =	swait.ge @!p0 [sflag:s0], s1  }
0x1fd: {  	s1 =	ssub.s32 @!p0 $0x0, s1;
	[sflag:s0] =	ssyncset.done @!p0 $0x0  }
0x1fe: {  	[sflag:s0] =	ssyncadd.s32 @!p0 s1  }
0x1ff: {  	[bflag:$0x3] =	sbarrier.arrive $0xFFFF  }
0x200: {  	_ =	shalt  }

</sc_bundles>
